<compile_context>
chip_gen: v7x
topology: tpu7x:2x2x1
jax: 0.10.2.dev20260603
libtpu: 0.0.44.dev20260713+nightly
codegen_flags: <defaults>
</compile_context>

<pallas_src>
import functools
import math

import jax
import jax.numpy as jnp
from jax import lax
from jax.experimental import pallas as pl
from jax.experimental.pallas import tpu as pltpu
from jax.experimental.pallas import tpu_sc as plsc

L = 16
NC, NS = 2, 16
NW = NC * NS
CHUNK = 32000


def _take16(vec, idx):
    return jnp.take_along_axis(vec, idx, axis=0, mode="promise_in_bounds")


def _search_and_eval(x, t_lo, t_l5, t_ref, a_ref, b_ref, c_ref, d_ref, depth):
    i = jnp.ones((L,), jnp.int32)
    for _ in range(4):
        v = _take16(t_lo, i)
        i = i + i + (v < x).astype(jnp.int32)
    v = _take16(t_l5, i - L)
    i = i + i + (v < x).astype(jnp.int32)
    for _ in range(depth - 5):
        v = plsc.load_gather(t_ref, [i])
        i = i + i + (v < x).astype(jnp.int32)
    idx = i - (1 << depth)
    av = plsc.load_gather(a_ref, [idx])
    bv = plsc.load_gather(b_ref, [idx])
    cv = plsc.load_gather(c_ref, [idx])
    dv = plsc.load_gather(d_ref, [idx])
    return ((dv * x + cv) * x + bv) * x + av


def _make_sc_kernel(n, k):
    assert n % CHUNK == 0 and CHUNK % L == 0
    n_chunks = n // CHUNK
    chunks_per_worker = -(-n_chunks // NW)
    n_vec = CHUNK // L
    depth = max(5, math.ceil(math.log2(k - 1)))
    tsize = 1 << depth

    mesh = plsc.VectorSubcoreMesh(core_axis_name="c", subcore_axis_name="s")

    @functools.partial(
        pl.kernel,
        out_type=jax.ShapeDtypeStruct((n,), jnp.float32),
        mesh=mesh,
        compiler_params=pltpu.CompilerParams(needs_layout_passes=False,
                                             use_tc_tiling_on_sc=False),
        scratch_types=[
            pltpu.VMEM((CHUNK,), jnp.float32),
            pltpu.VMEM((CHUNK,), jnp.float32),
            pltpu.VMEM((CHUNK,), jnp.float32),
            pltpu.VMEM((tsize,), jnp.float32),
            pltpu.VMEM((tsize,), jnp.float32),
        ] + [pltpu.VMEM((k,), jnp.float32) for _ in range(8)],
    )
    def sc_kernel(x0_hbm, x1_hbm, t0_hbm, t1_hbm, a0_hbm, b0_hbm, c0_hbm,
                  d0_hbm, a1_hbm, b1_hbm, c1_hbm, d1_hbm, out_hbm,
                  x0_v, x1_v, out_v, t0_v, t1_v, a0_v, b0_v, c0_v, d0_v,
                  a1_v, b1_v, c1_v, d1_v):
        wid = lax.axis_index("s") * NC + lax.axis_index("c")

        pltpu.sync_copy(t0_hbm, t0_v)
        pltpu.sync_copy(t1_hbm, t1_v)
        pltpu.sync_copy(a0_hbm, a0_v)
        pltpu.sync_copy(b0_hbm, b0_v)
        pltpu.sync_copy(c0_hbm, c0_v)
        pltpu.sync_copy(d0_hbm, d0_v)
        pltpu.sync_copy(a1_hbm, a1_v)
        pltpu.sync_copy(b1_hbm, b1_v)
        pltpu.sync_copy(c1_hbm, c1_v)
        pltpu.sync_copy(d1_hbm, d1_v)

        t0_lo = t0_v[pl.ds(0, L)]
        t0_l5 = t0_v[pl.ds(L, L)]
        t1_lo = t1_v[pl.ds(0, L)]
        t1_l5 = t1_v[pl.ds(L, L)]

        def chunk_body(c, _):
            chunk_id = wid + c * NW

            @pl.when(chunk_id < n_chunks)
            def _():
                base = chunk_id * CHUNK
                pltpu.sync_copy(x0_hbm.at[pl.ds(base, CHUNK)], x0_v)
                pltpu.sync_copy(x1_hbm.at[pl.ds(base, CHUNK)], x1_v)

                @plsc.parallel_loop(0, n_vec, unroll=10)
                def vec_body(v):
                    x0 = x0_v[pl.ds(v * L, L)]
                    x1 = x1_v[pl.ds(v * L, L)]
                    p0 = _search_and_eval(x0, t0_lo, t0_l5, t0_v, a0_v,
                                          b0_v, c0_v, d0_v, depth)
                    p1 = _search_and_eval(x1, t1_lo, t1_l5, t1_v, a1_v,
                                          b1_v, c1_v, d1_v, depth)
                    out_v[pl.ds(v * L, L)] = p0 * p1
                pltpu.sync_copy(out_v, out_hbm.at[pl.ds(base, CHUNK)])

            return _

        lax.fori_loop(0, chunks_per_worker, chunk_body, None)

    return sc_kernel


def _deinterleave_tc(xt):
    n = xt.shape[1]
    blk = 32000
    assert n % blk == 0

    def body(x_ref, o0_ref, o1_ref):
        i = pl.program_id(0)
        o0_ref[pl.ds(i * blk, blk)] = x_ref[0, :]
        o1_ref[pl.ds(i * blk, blk)] = x_ref[1, :]

    return pl.pallas_call(
        body,
        grid=(n // blk,),
        in_specs=[pl.BlockSpec((2, blk), lambda i: (0, i))],
        out_specs=[pl.BlockSpec((n,), lambda i: (0,)),
                   pl.BlockSpec((n,), lambda i: (0,))],
        out_shape=[jax.ShapeDtypeStruct((n,), jnp.float32),
                   jax.ShapeDtypeStruct((n,), jnp.float32)],
    )(xt)


def _eytzinger_perm(depth):
    size = 1 << depth
    perm = [0] * size
    stack = [(0, size - 2, 1)]
    while stack:
        lo, hi, i = stack.pop()
        if lo > hi:
            continue
        mid = (lo + hi) // 2
        perm[i] = mid
        stack.append((lo, mid - 1, 2 * i))
        stack.append((mid + 1, hi, 2 * i + 1))
    return perm


def kernel(x, knots, a, b, c, d):
    n = x.shape[0]
    k = knots.shape[0]
    depth = max(5, math.ceil(math.log2(k - 1)))
    tsize = 1 << depth
    pad = jnp.full((tsize - 1 - (k - 2),), jnp.inf, jnp.float32)
    perm = jnp.asarray(_eytzinger_perm(depth)[1:], jnp.int32)

    def tree(j):
        srt = jnp.concatenate([knots[1:k - 1, j], pad])
        return jnp.concatenate([jnp.zeros((1,), jnp.float32), srt[perm]])

    def col(t, j):
        return jnp.concatenate([t[:, j], jnp.zeros((1,), jnp.float32)])

    x0, x1 = _deinterleave_tc(x.T)
    sc = _make_sc_kernel(n, k)
    return sc(x0, x1, tree(0), tree(1),
              col(a, 0), col(b, 0), col(c, 0), col(d, 0),
              col(a, 1), col(b, 1), col(c, 1), col(d, 1))

# --- scband reference (transcript-rebuilt; emitter-appended) ---
"""Pipeline reference for scband-cubic-piecewise-polynomial2-dunivariate-23742579212356 (READ-ONLY COPY).

The authoritative reference and input builder live on the scoring server;
editing this copy changes nothing except your own understanding.
"""

import jax, jax.numpy as jnp
import numpy as np

N = 4000000
K = 1024


def setup_inputs(seed: int = 0) -> dict:
    key = jax.random.key(seed)
    k1, k2, k3 = jax.random.split(key, 3)
    # sorted knots per dimension (knots[:, j] must be monotonically increasing)
    knots = jnp.sort(jax.random.uniform(k1, (K, 2), dtype=jnp.float32), axis=0)
    coeffs = jax.random.normal(k2, (4, K - 1, 2), dtype=jnp.float32) * 0.1
    x = jax.random.uniform(k3, (N, 2), dtype=jnp.float32)
    return {
        'x': x,
        'knots': knots,
        'a': coeffs[0],
        'b': coeffs[1],
        'c': coeffs[2],
        'd': coeffs[3],
    }


def _eval_dim(xj, knotsj, aj, bj, cj, dj):
    # searchsorted + clamp, exactly mirroring get_coeff_1d
    idx = jnp.searchsorted(knotsj, xj)
    idx = jnp.clip(idx - 1, 0, knotsj.shape[0] - 2)
    a = jnp.take(aj, idx, axis=0)
    b = jnp.take(bj, idx, axis=0)
    c = jnp.take(cj, idx, axis=0)
    d = jnp.take(dj, idx, axis=0)
    # shift_polynomials=True -> eval_point = x (coefficients are pre-shifted)
    return a + b * xj + c * xj ** 2 + d * xj ** 3


def reference(x, knots, a, b, c, d):
    p0 = _eval_dim(x[:, 0], knots[:, 0], a[:, 0], b[:, 0], c[:, 0], d[:, 0])
    p1 = _eval_dim(x[:, 1], knots[:, 1], a[:, 1], b[:, 1], c[:, 1], d[:, 1])
    return p0 * p1

if __name__ == "__main__":
    import jax
    _d = setup_inputs()
    print(jax.jit(kernel)(*tuple(_d.values())))

</pallas_src>

<mosaic_0001>
#map = affine_map<(d0, d1) -> (0)>
module attributes {stable_mosaic.version = 14 : i64} {
  func.func @sc_kernel(%arg0: i32, %arg1: i32, %arg2: memref<4000000xf32, #tpu.memory_space<hbm>>, %arg3: memref<4000000xf32, #tpu.memory_space<hbm>>, %arg4: memref<1024xf32, #tpu.memory_space<hbm>>, %arg5: memref<1024xf32, #tpu.memory_space<hbm>>, %arg6: memref<1024xf32, #tpu.memory_space<hbm>>, %arg7: memref<1024xf32, #tpu.memory_space<hbm>>, %arg8: memref<1024xf32, #tpu.memory_space<hbm>>, %arg9: memref<1024xf32, #tpu.memory_space<hbm>>, %arg10: memref<1024xf32, #tpu.memory_space<hbm>>, %arg11: memref<1024xf32, #tpu.memory_space<hbm>>, %arg12: memref<1024xf32, #tpu.memory_space<hbm>>, %arg13: memref<1024xf32, #tpu.memory_space<hbm>>, %arg14: memref<4000000xf32, #tpu.memory_space<hbm>>, %arg15: memref<32000xf32, #tpu.memory_space<vmem>>, %arg16: memref<32000xf32, #tpu.memory_space<vmem>>, %arg17: memref<32000xf32, #tpu.memory_space<vmem>>, %arg18: memref<1024xf32, #tpu.memory_space<vmem>>, %arg19: memref<1024xf32, #tpu.memory_space<vmem>>, %arg20: memref<1024xf32, #tpu.memory_space<vmem>>, %arg21: memref<1024xf32, #tpu.memory_space<vmem>>, %arg22: memref<1024xf32, #tpu.memory_space<vmem>>, %arg23: memref<1024xf32, #tpu.memory_space<vmem>>, %arg24: memref<1024xf32, #tpu.memory_space<vmem>>, %arg25: memref<1024xf32, #tpu.memory_space<vmem>>, %arg26: memref<1024xf32, #tpu.memory_space<vmem>>, %arg27: memref<1024xf32, #tpu.memory_space<vmem>>) attributes {dimension_semantics = [#tpu.dimension_semantics<core_parallel>, #tpu.dimension_semantics<subcore_parallel>], iteration_bounds = array<i64: 2, 16>, scalar_prefetch = 0 : i64, scratch_operands = 13 : i64, tpu.core_type = #tpu.core_type<sc_vector_subcore>, window_params = [{transform_indices = #map}, {transform_indices = #map}, {transform_indices = #map}, {transform_indices = #map}, {transform_indices = #map}, {transform_indices = #map}, {transform_indices = #map}, {transform_indices = #map}, {transform_indices = #map}, {transform_indices = #map}, {transform_indices = #map}, {transform_indices = #map}, {transform_indices = #map}]} {
    %mul3A = arith.constant 2 : i32
    %mul3A_0 = arith.muli %arg1, %mul3A : i32
    %add3A = arith.addi %mul3A_0, %arg0 : i32
    "tpu.region"() ({
      %run_scoped3A = tpu.sem_alloc : memref<!tpu.dma_semaphore, #tpu.memory_space<semaphore_mem>>
      tpu.enqueue_dma source(%arg4 : memref<1024xf32, #tpu.memory_space<hbm>>) target(%arg18 : memref<1024xf32, #tpu.memory_space<vmem>>) target_semaphore(%run_scoped3A : memref<!tpu.dma_semaphore, #tpu.memory_space<semaphore_mem>>)
      tpu.wait_dma2 semaphore(%run_scoped3A : memref<!tpu.dma_semaphore, #tpu.memory_space<semaphore_mem>>) src(%arg4 : memref<1024xf32, #tpu.memory_space<hbm>>) dst(%arg18 : memref<1024xf32, #tpu.memory_space<vmem>>)
      tpu.yield
    }) : () -> ()
    "tpu.region"() ({
      %run_scoped3A = tpu.sem_alloc : memref<!tpu.dma_semaphore, #tpu.memory_space<semaphore_mem>>
      tpu.enqueue_dma source(%arg5 : memref<1024xf32, #tpu.memory_space<hbm>>) target(%arg19 : memref<1024xf32, #tpu.memory_space<vmem>>) target_semaphore(%run_scoped3A : memref<!tpu.dma_semaphore, #tpu.memory_space<semaphore_mem>>)
      tpu.wait_dma2 semaphore(%run_scoped3A : memref<!tpu.dma_semaphore, #tpu.memory_space<semaphore_mem>>) src(%arg5 : memref<1024xf32, #tpu.memory_space<hbm>>) dst(%arg19 : memref<1024xf32, #tpu.memory_space<vmem>>)
      tpu.yield
    }) : () -> ()
    "tpu.region"() ({
      %run_scoped3A = tpu.sem_alloc : memref<!tpu.dma_semaphore, #tpu.memory_space<semaphore_mem>>
      tpu.enqueue_dma source(%arg6 : memref<1024xf32, #tpu.memory_space<hbm>>) target(%arg20 : memref<1024xf32, #tpu.memory_space<vmem>>) target_semaphore(%run_scoped3A : memref<!tpu.dma_semaphore, #tpu.memory_space<semaphore_mem>>)
      tpu.wait_dma2 semaphore(%run_scoped3A : memref<!tpu.dma_semaphore, #tpu.memory_space<semaphore_mem>>) src(%arg6 : memref<1024xf32, #tpu.memory_space<hbm>>) dst(%arg20 : memref<1024xf32, #tpu.memory_space<vmem>>)
      tpu.yield
    }) : () -> ()
    "tpu.region"() ({
      %run_scoped3A = tpu.sem_alloc : memref<!tpu.dma_semaphore, #tpu.memory_space<semaphore_mem>>
      tpu.enqueue_dma source(%arg7 : memref<1024xf32, #tpu.memory_space<hbm>>) target(%arg21 : memref<1024xf32, #tpu.memory_space<vmem>>) target_semaphore(%run_scoped3A : memref<!tpu.dma_semaphore, #tpu.memory_space<semaphore_mem>>)
      tpu.wait_dma2 semaphore(%run_scoped3A : memref<!tpu.dma_semaphore, #tpu.memory_space<semaphore_mem>>) src(%arg7 : memref<1024xf32, #tpu.memory_space<hbm>>) dst(%arg21 : memref<1024xf32, #tpu.memory_space<vmem>>)
      tpu.yield
    }) : () -> ()
    "tpu.region"() ({
      %run_scoped3A = tpu.sem_alloc : memref<!tpu.dma_semaphore, #tpu.memory_space<semaphore_mem>>
      tpu.enqueue_dma source(%arg8 : memref<1024xf32, #tpu.memory_space<hbm>>) target(%arg22 : memref<1024xf32, #tpu.memory_space<vmem>>) target_semaphore(%run_scoped3A : memref<!tpu.dma_semaphore, #tpu.memory_space<semaphore_mem>>)
      tpu.wait_dma2 semaphore(%run_scoped3A : memref<!tpu.dma_semaphore, #tpu.memory_space<semaphore_mem>>) src(%arg8 : memref<1024xf32, #tpu.memory_space<hbm>>) dst(%arg22 : memref<1024xf32, #tpu.memory_space<vmem>>)
      tpu.yield
    }) : () -> ()
    "tpu.region"() ({
      %run_scoped3A = tpu.sem_alloc : memref<!tpu.dma_semaphore, #tpu.memory_space<semaphore_mem>>
      tpu.enqueue_dma source(%arg9 : memref<1024xf32, #tpu.memory_space<hbm>>) target(%arg23 : memref<1024xf32, #tpu.memory_space<vmem>>) target_semaphore(%run_scoped3A : memref<!tpu.dma_semaphore, #tpu.memory_space<semaphore_mem>>)
      tpu.wait_dma2 semaphore(%run_scoped3A : memref<!tpu.dma_semaphore, #tpu.memory_space<semaphore_mem>>) src(%arg9 : memref<1024xf32, #tpu.memory_space<hbm>>) dst(%arg23 : memref<1024xf32, #tpu.memory_space<vmem>>)
      tpu.yield
    }) : () -> ()
    "tpu.region"() ({
      %run_scoped3A = tpu.sem_alloc : memref<!tpu.dma_semaphore, #tpu.memory_space<semaphore_mem>>
      tpu.enqueue_dma source(%arg10 : memref<1024xf32, #tpu.memory_space<hbm>>) target(%arg24 : memref<1024xf32, #tpu.memory_space<vmem>>) target_semaphore(%run_scoped3A : memref<!tpu.dma_semaphore, #tpu.memory_space<semaphore_mem>>)
      tpu.wait_dma2 semaphore(%run_scoped3A : memref<!tpu.dma_semaphore, #tpu.memory_space<semaphore_mem>>) src(%arg10 : memref<1024xf32, #tpu.memory_space<hbm>>) dst(%arg24 : memref<1024xf32, #tpu.memory_space<vmem>>)
      tpu.yield
    }) : () -> ()
    "tpu.region"() ({
      %run_scoped3A = tpu.sem_alloc : memref<!tpu.dma_semaphore, #tpu.memory_space<semaphore_mem>>
      tpu.enqueue_dma source(%arg11 : memref<1024xf32, #tpu.memory_space<hbm>>) target(%arg25 : memref<1024xf32, #tpu.memory_space<vmem>>) target_semaphore(%run_scoped3A : memref<!tpu.dma_semaphore, #tpu.memory_space<semaphore_mem>>)
      tpu.wait_dma2 semaphore(%run_scoped3A : memref<!tpu.dma_semaphore, #tpu.memory_space<semaphore_mem>>) src(%arg11 : memref<1024xf32, #tpu.memory_space<hbm>>) dst(%arg25 : memref<1024xf32, #tpu.memory_space<vmem>>)
      tpu.yield
    }) : () -> ()
    "tpu.region"() ({
      %run_scoped3A = tpu.sem_alloc : memref<!tpu.dma_semaphore, #tpu.memory_space<semaphore_mem>>
      tpu.enqueue_dma source(%arg12 : memref<1024xf32, #tpu.memory_space<hbm>>) target(%arg26 : memref<1024xf32, #tpu.memory_space<vmem>>) target_semaphore(%run_scoped3A : memref<!tpu.dma_semaphore, #tpu.memory_space<semaphore_mem>>)
      tpu.wait_dma2 semaphore(%run_scoped3A : memref<!tpu.dma_semaphore, #tpu.memory_space<semaphore_mem>>) src(%arg12 : memref<1024xf32, #tpu.memory_space<hbm>>) dst(%arg26 : memref<1024xf32, #tpu.memory_space<vmem>>)
      tpu.yield
    }) : () -> ()
    "tpu.region"() ({
      %run_scoped3A = tpu.sem_alloc : memref<!tpu.dma_semaphore, #tpu.memory_space<semaphore_mem>>
      tpu.enqueue_dma source(%arg13 : memref<1024xf32, #tpu.memory_space<hbm>>) target(%arg27 : memref<1024xf32, #tpu.memory_space<vmem>>) target_semaphore(%run_scoped3A : memref<!tpu.dma_semaphore, #tpu.memory_space<semaphore_mem>>)
      tpu.wait_dma2 semaphore(%run_scoped3A : memref<!tpu.dma_semaphore, #tpu.memory_space<semaphore_mem>>) src(%arg13 : memref<1024xf32, #tpu.memory_space<hbm>>) dst(%arg27 : memref<1024xf32, #tpu.memory_space<vmem>>)
      tpu.yield
    }) : () -> ()
    %get3A = arith.constant 0 : index
    %get3A_1 = tpu.vector_load %arg18[%get3A] {strides = array<i32>} : memref<1024xf32, #tpu.memory_space<vmem>>, vector<16xf32>,
    %get3A_2 = arith.constant 16 : index
    %get3A_3 = tpu.vector_load %arg18[%get3A_2] {strides = array<i32>} : memref<1024xf32, #tpu.memory_space<vmem>>, vector<16xf32>,
    %get3A_4 = arith.constant 0 : index
    %get3A_5 = tpu.vector_load %arg19[%get3A_4] {strides = array<i32>} : memref<1024xf32, #tpu.memory_space<vmem>>, vector<16xf32>,
    %get3A_6 = arith.constant 16 : index
    %get3A_7 = tpu.vector_load %arg19[%get3A_6] {strides = array<i32>} : memref<1024xf32, #tpu.memory_space<vmem>>, vector<16xf32>,
    %scan3A = arith.constant 0 : i32
    %scan3A_8 = arith.constant 4 : i32
    %scan3A_9 = arith.addi %scan3A, %scan3A_8 : i32
    %scan3A_10 = arith.constant 1 : i32
    scf.for %scan3A_12 = %scan3A to %scan3A_9 step %scan3A_10  : i32 {
      %mul3A_13 = arith.constant 32 : i32
      %mul3A_14 = arith.muli %scan3A_12, %mul3A_13 : i32
      %add3A_15 = arith.addi %add3A, %mul3A_14 : i32
      %lt3A = arith.constant 125 : i32
      %lt3A_16 = arith.cmpi slt, %add3A_15, %lt3A : i32
      %convert_element_type3A = arith.extui %lt3A_16 : i1 to i32
      %cond3A = arith.constant 0 : i32
      %cond3A_17 = arith.cmpi ne, %convert_element_type3A, %cond3A : i32
      scf.if %cond3A_17 {
        %mul3A_18 = arith.constant 32000 : i32
        %mul3A_19 = arith.muli %add3A_15, %mul3A_18 : i32
        "tpu.region"() ({
          %run_scoped3A = tpu.sem_alloc : memref<!tpu.dma_semaphore, #tpu.memory_space<semaphore_mem>>
          %dma_start3A = tpu.memref_slice %arg2[%mul3A_19] : memref<4000000xf32, #tpu.memory_space<hbm>> -> memref<32000xf32, #tpu.memory_space<hbm>>
          %dma_start3A_22 = tpu.memref_slice %arg2[%mul3A_19] : memref<4000000xf32, #tpu.memory_space<hbm>> -> memref<32000xf32, #tpu.memory_space<hbm>>
          tpu.enqueue_dma source(%dma_start3A_22 : memref<32000xf32, #tpu.memory_space<hbm>>) target(%arg15 : memref<32000xf32, #tpu.memory_space<vmem>>) target_semaphore(%run_scoped3A : memref<!tpu.dma_semaphore, #tpu.memory_space<semaphore_mem>>)
          %dma_wait3A = tpu.memref_slice %arg2[%mul3A_19] : memref<4000000xf32, #tpu.memory_space<hbm>> -> memref<32000xf32, #tpu.memory_space<hbm>>
          %dma_wait3A_23 = tpu.memref_slice %arg2[%mul3A_19] : memref<4000000xf32, #tpu.memory_space<hbm>> -> memref<32000xf32, #tpu.memory_space<hbm>>
          tpu.wait_dma2 semaphore(%run_scoped3A : memref<!tpu.dma_semaphore, #tpu.memory_space<semaphore_mem>>) src(%dma_wait3A_23 : memref<32000xf32, #tpu.memory_space<hbm>>) dst(%arg15 : memref<32000xf32, #tpu.memory_space<vmem>>)
          tpu.yield
        }) : () -> ()
        "tpu.region"() ({
          %run_scoped3A = tpu.sem_alloc : memref<!tpu.dma_semaphore, #tpu.memory_space<semaphore_mem>>
          %dma_start3A = tpu.memref_slice %arg3[%mul3A_19] : memref<4000000xf32, #tpu.memory_space<hbm>> -> memref<32000xf32, #tpu.memory_space<hbm>>
          %dma_start3A_22 = tpu.memref_slice %arg3[%mul3A_19] : memref<4000000xf32, #tpu.memory_space<hbm>> -> memref<32000xf32, #tpu.memory_space<hbm>>
          tpu.enqueue_dma source(%dma_start3A_22 : memref<32000xf32, #tpu.memory_space<hbm>>) target(%arg16 : memref<32000xf32, #tpu.memory_space<vmem>>) target_semaphore(%run_scoped3A : memref<!tpu.dma_semaphore, #tpu.memory_space<semaphore_mem>>)
          %dma_wait3A = tpu.memref_slice %arg3[%mul3A_19] : memref<4000000xf32, #tpu.memory_space<hbm>> -> memref<32000xf32, #tpu.memory_space<hbm>>
          %dma_wait3A_23 = tpu.memref_slice %arg3[%mul3A_19] : memref<4000000xf32, #tpu.memory_space<hbm>> -> memref<32000xf32, #tpu.memory_space<hbm>>
          tpu.wait_dma2 semaphore(%run_scoped3A : memref<!tpu.dma_semaphore, #tpu.memory_space<semaphore_mem>>) src(%dma_wait3A_23 : memref<32000xf32, #tpu.memory_space<hbm>>) dst(%arg16 : memref<32000xf32, #tpu.memory_space<vmem>>)
          tpu.yield
        }) : () -> ()
        %parallel_loop3A = arith.constant 0 : i32
        %parallel_loop3A_20 = arith.constant 2000 : i32
        %parallel_loop3A_21 = arith.constant 1 : i32
        scf.for %parallel_loop3A_22 = %parallel_loop3A to %parallel_loop3A_20 step %parallel_loop3A_21  : i32 {
          %parallel_loop3A_23 = arith.constant 16 : i32
          %parallel_loop3A_24 = arith.muli %parallel_loop3A_22, %parallel_loop3A_23 : i32
          %parallel_loop3A_25 = arith.index_cast %parallel_loop3A_24 : i32 to index
          %parallel_loop3A_26 = tpu.vector_load %arg15[%parallel_loop3A_25] {strides = array<i32>} : memref<32000xf32, #tpu.memory_space<vmem>>, vector<16xf32>,
          %parallel_loop3A_27 = arith.constant 16 : i32
          %parallel_loop3A_28 = arith.muli %parallel_loop3A_22, %parallel_loop3A_27 : i32
          %parallel_loop3A_29 = arith.index_cast %parallel_loop3A_28 : i32 to index
          %parallel_loop3A_30 = tpu.vector_load %arg16[%parallel_loop3A_29] {strides = array<i32>} : memref<32000xf32, #tpu.memory_space<vmem>>, vector<16xf32>,
          %parallel_loop3A_31 = arith.constant 1 : i32
          %parallel_loop3A_32 = vector.broadcast %parallel_loop3A_31 : i32 to vector<16xi32>
          %parallel_loop3A_33 = vector.shape_cast %parallel_loop3A_32 : vector<16xi32> to vector<16x1xi32>
          %parallel_loop3A_34 = vector.shape_cast %parallel_loop3A_33 : vector<16x1xi32> to vector<16xi32>
          %parallel_loop3A_35 = tpu.dynamic_gather %get3A_1[%parallel_loop3A_34] in [0] : vector<16xf32>, vector<16xi32> -> vector<16xf32>
          %parallel_loop3A_36 = arith.addi %parallel_loop3A_32, %parallel_loop3A_32 : vector<16xi32>
          %parallel_loop3A_37 = arith.cmpf olt, %parallel_loop3A_35, %parallel_loop3A_26 : vector<16xf32>
          %parallel_loop3A_38 = arith.extui %parallel_loop3A_37 : vector<16xi1> to vector<16xi32>
          %parallel_loop3A_39 = arith.addi %parallel_loop3A_36, %parallel_loop3A_38 : vector<16xi32>
          %parallel_loop3A_40 = vector.shape_cast %parallel_loop3A_39 : vector<16xi32> to vector<16x1xi32>
          %parallel_loop3A_41 = vector.shape_cast %parallel_loop3A_40 : vector<16x1xi32> to vector<16xi32>
          %parallel_loop3A_42 = tpu.dynamic_gather %get3A_1[%parallel_loop3A_41] in [0] : vector<16xf32>, vector<16xi32> -> vector<16xf32>
          %parallel_loop3A_43 = arith.addi %parallel_loop3A_39, %parallel_loop3A_39 : vector<16xi32>
          %parallel_loop3A_44 = arith.cmpf olt, %parallel_loop3A_42, %parallel_loop3A_26 : vector<16xf32>
          %parallel_loop3A_45 = arith.extui %parallel_loop3A_44 : vector<16xi1> to vector<16xi32>
          %parallel_loop3A_46 = arith.addi %parallel_loop3A_43, %parallel_loop3A_45 : vector<16xi32>
          %parallel_loop3A_47 = vector.shape_cast %parallel_loop3A_46 : vector<16xi32> to vector<16x1xi32>
          %parallel_loop3A_48 = vector.shape_cast %parallel_loop3A_47 : vector<16x1xi32> to vector<16xi32>
          %parallel_loop3A_49 = tpu.dynamic_gather %get3A_1[%parallel_loop3A_48] in [0] : vector<16xf32>, vector<16xi32> -> vector<16xf32>
          %parallel_loop3A_50 = arith.addi %parallel_loop3A_46, %parallel_loop3A_46 : vector<16xi32>
          %parallel_loop3A_51 = arith.cmpf olt, %parallel_loop3A_49, %parallel_loop3A_26 : vector<16xf32>
          %parallel_loop3A_52 = arith.extui %parallel_loop3A_51 : vector<16xi1> to vector<16xi32>
          %parallel_loop3A_53 = arith.addi %parallel_loop3A_50, %parallel_loop3A_52 : vector<16xi32>
          %parallel_loop3A_54 = vector.shape_cast %parallel_loop3A_53 : vector<16xi32> to vector<16x1xi32>
          %parallel_loop3A_55 = vector.shape_cast %parallel_loop3A_54 : vector<16x1xi32> to vector<16xi32>
          %parallel_loop3A_56 = tpu.dynamic_gather %get3A_1[%parallel_loop3A_55] in [0] : vector<16xf32>, vector<16xi32> -> vector<16xf32>
          %parallel_loop3A_57 = arith.addi %parallel_loop3A_53, %parallel_loop3A_53 : vector<16xi32>
          %parallel_loop3A_58 = arith.cmpf olt, %parallel_loop3A_56, %parallel_loop3A_26 : vector<16xf32>
          %parallel_loop3A_59 = arith.extui %parallel_loop3A_58 : vector<16xi1> to vector<16xi32>
          %parallel_loop3A_60 = arith.addi %parallel_loop3A_57, %parallel_loop3A_59 : vector<16xi32>
          %parallel_loop3A_61 = arith.constant 16 : i32
          %parallel_loop3A_62 = vector.broadcast %parallel_loop3A_61 : i32 to vector<16xi32>
          %parallel_loop3A_63 = arith.subi %parallel_loop3A_60, %parallel_loop3A_62 : vector<16xi32>
          %parallel_loop3A_64 = vector.shape_cast %parallel_loop3A_63 : vector<16xi32> to vector<16x1xi32>
          %parallel_loop3A_65 = vector.shape_cast %parallel_loop3A_64 : vector<16x1xi32> to vector<16xi32>
          %parallel_loop3A_66 = tpu.dynamic_gather %get3A_3[%parallel_loop3A_65] in [0] : vector<16xf32>, vector<16xi32> -> vector<16xf32>
          %parallel_loop3A_67 = arith.addi %parallel_loop3A_60, %parallel_loop3A_60 : vector<16xi32>
          %parallel_loop3A_68 = arith.cmpf olt, %parallel_loop3A_66, %parallel_loop3A_26 : vector<16xf32>
          %parallel_loop3A_69 = arith.extui %parallel_loop3A_68 : vector<16xi1> to vector<16xi32>
          %parallel_loop3A_70 = arith.addi %parallel_loop3A_67, %parallel_loop3A_69 : vector<16xi32>
          %parallel_loop3A_71 = tpu.vector_load_idx %arg18[%parallel_loop3A_70] : memref<1024xf32, #tpu.memory_space<vmem>>[vector<16xi32>], vector<16xf32>,
          %parallel_loop3A_72 = arith.addi %parallel_loop3A_70, %parallel_loop3A_70 : vector<16xi32>
          %parallel_loop3A_73 = arith.cmpf olt, %parallel_loop3A_71, %parallel_loop3A_26 : vector<16xf32>
          %parallel_loop3A_74 = arith.extui %parallel_loop3A_73 : vector<16xi1> to vector<16xi32>
          %parallel_loop3A_75 = arith.addi %parallel_loop3A_72, %parallel_loop3A_74 : vector<16xi32>
          %parallel_loop3A_76 = tpu.vector_load_idx %arg18[%parallel_loop3A_75] : memref<1024xf32, #tpu.memory_space<vmem>>[vector<16xi32>], vector<16xf32>,
          %parallel_loop3A_77 = arith.addi %parallel_loop3A_75, %parallel_loop3A_75 : vector<16xi32>
          %parallel_loop3A_78 = arith.cmpf olt, %parallel_loop3A_76, %parallel_loop3A_26 : vector<16xf32>
          %parallel_loop3A_79 = arith.extui %parallel_loop3A_78 : vector<16xi1> to vector<16xi32>
          %parallel_loop3A_80 = arith.addi %parallel_loop3A_77, %parallel_loop3A_79 : vector<16xi32>
          %parallel_loop3A_81 = tpu.vector_load_idx %arg18[%parallel_loop3A_80] : memref<1024xf32, #tpu.memory_space<vmem>>[vector<16xi32>], vector<16xf32>,
          %parallel_loop3A_82 = arith.addi %parallel_loop3A_80, %parallel_loop3A_80 : vector<16xi32>
          %parallel_loop3A_83 = arith.cmpf olt, %parallel_loop3A_81, %parallel_loop3A_26 : vector<16xf32>
          %parallel_loop3A_84 = arith.extui %parallel_loop3A_83 : vector<16xi1> to vector<16xi32>
          %parallel_loop3A_85 = arith.addi %parallel_loop3A_82, %parallel_loop3A_84 : vector<16xi32>
          %parallel_loop3A_86 = tpu.vector_load_idx %arg18[%parallel_loop3A_85] : memref<1024xf32, #tpu.memory_space<vmem>>[vector<16xi32>], vector<16xf32>,
          %parallel_loop3A_87 = arith.addi %parallel_loop3A_85, %parallel_loop3A_85 : vector<16xi32>
          %parallel_loop3A_88 = arith.cmpf olt, %parallel_loop3A_86, %parallel_loop3A_26 : vector<16xf32>
          %parallel_loop3A_89 = arith.extui %parallel_loop3A_88 : vector<16xi1> to vector<16xi32>
          %parallel_loop3A_90 = arith.addi %parallel_loop3A_87, %parallel_loop3A_89 : vector<16xi32>
          %parallel_loop3A_91 = tpu.vector_load_idx %arg18[%parallel_loop3A_90] : memref<1024xf32, #tpu.memory_space<vmem>>[vector<16xi32>], vector<16xf32>,
          %parallel_loop3A_92 = arith.addi %parallel_loop3A_90, %parallel_loop3A_90 : vector<16xi32>
          %parallel_loop3A_93 = arith.cmpf olt, %parallel_loop3A_91, %parallel_loop3A_26 : vector<16xf32>
          %parallel_loop3A_94 = arith.extui %parallel_loop3A_93 : vector<16xi1> to vector<16xi32>
          %parallel_loop3A_95 = arith.addi %parallel_loop3A_92, %parallel_loop3A_94 : vector<16xi32>
          %parallel_loop3A_96 = arith.constant 1024 : i32
          %parallel_loop3A_97 = vector.broadcast %parallel_loop3A_96 : i32 to vector<16xi32>
          %parallel_loop3A_98 = arith.subi %parallel_loop3A_95, %parallel_loop3A_97 : vector<16xi32>
          %parallel_loop3A_99 = tpu.vector_load_idx %arg20[%parallel_loop3A_98] : memref<1024xf32, #tpu.memory_space<vmem>>[vector<16xi32>], vector<16xf32>,
          %parallel_loop3A_100 = tpu.vector_load_idx %arg21[%parallel_loop3A_98] : memref<1024xf32, #tpu.memory_space<vmem>>[vector<16xi32>], vector<16xf32>,
          %parallel_loop3A_101 = tpu.vector_load_idx %arg22[%parallel_loop3A_98] : memref<1024xf32, #tpu.memory_space<vmem>>[vector<16xi32>], vector<16xf32>,
          %parallel_loop3A_102 = tpu.vector_load_idx %arg23[%parallel_loop3A_98] : memref<1024xf32, #tpu.memory_space<vmem>>[vector<16xi32>], vector<16xf32>,
          %parallel_loop3A_103 = arith.mulf %parallel_loop3A_102, %parallel_loop3A_26 : vector<16xf32>
          %parallel_loop3A_104 = arith.addf %parallel_loop3A_103, %parallel_loop3A_101 : vector<16xf32>
          %parallel_loop3A_105 = arith.mulf %parallel_loop3A_104, %parallel_loop3A_26 : vector<16xf32>
          %parallel_loop3A_106 = arith.addf %parallel_loop3A_105, %parallel_loop3A_100 : vector<16xf32>
          %parallel_loop3A_107 = arith.mulf %parallel_loop3A_106, %parallel_loop3A_26 : vector<16xf32>
          %parallel_loop3A_108 = arith.addf %parallel_loop3A_107, %parallel_loop3A_99 : vector<16xf32>
          %parallel_loop3A_109 = arith.constant 1 : i32
          %parallel_loop3A_110 = vector.broadcast %parallel_loop3A_109 : i32 to vector<16xi32>
          %parallel_loop3A_111 = vector.shape_cast %parallel_loop3A_110 : vector<16xi32> to vector<16x1xi32>
          %parallel_loop3A_112 = vector.shape_cast %parallel_loop3A_111 : vector<16x1xi32> to vector<16xi32>
          %parallel_loop3A_113 = tpu.dynamic_gather %get3A_5[%parallel_loop3A_112] in [0] : vector<16xf32>, vector<16xi32> -> vector<16xf32>
          %parallel_loop3A_114 = arith.addi %parallel_loop3A_110, %parallel_loop3A_110 : vector<16xi32>
          %parallel_loop3A_115 = arith.cmpf olt, %parallel_loop3A_113, %parallel_loop3A_30 : vector<16xf32>
          %parallel_loop3A_116 = arith.extui %parallel_loop3A_115 : vector<16xi1> to vector<16xi32>
          %parallel_loop3A_117 = arith.addi %parallel_loop3A_114, %parallel_loop3A_116 : vector<16xi32>
          %parallel_loop3A_118 = vector.shape_cast %parallel_loop3A_117 : vector<16xi32> to vector<16x1xi32>
          %parallel_loop3A_119 = vector.shape_cast %parallel_loop3A_118 : vector<16x1xi32> to vector<16xi32>
          %parallel_loop3A_120 = tpu.dynamic_gather %get3A_5[%parallel_loop3A_119] in [0] : vector<16xf32>, vector<16xi32> -> vector<16xf32>
          %parallel_loop3A_121 = arith.addi %parallel_loop3A_117, %parallel_loop3A_117 : vector<16xi32>
          %parallel_loop3A_122 = arith.cmpf olt, %parallel_loop3A_120, %parallel_loop3A_30 : vector<16xf32>
          %parallel_loop3A_123 = arith.extui %parallel_loop3A_122 : vector<16xi1> to vector<16xi32>
          %parallel_loop3A_124 = arith.addi %parallel_loop3A_121, %parallel_loop3A_123 : vector<16xi32>
          %parallel_loop3A_125 = vector.shape_cast %parallel_loop3A_124 : vector<16xi32> to vector<16x1xi32>
          %parallel_loop3A_126 = vector.shape_cast %parallel_loop3A_125 : vector<16x1xi32> to vector<16xi32>
          %parallel_loop3A_127 = tpu.dynamic_gather %get3A_5[%parallel_loop3A_126] in [0] : vector<16xf32>, vector<16xi32> -> vector<16xf32>
          %parallel_loop3A_128 = arith.addi %parallel_loop3A_124, %parallel_loop3A_124 : vector<16xi32>
          %parallel_loop3A_129 = arith.cmpf olt, %parallel_loop3A_127, %parallel_loop3A_30 : vector<16xf32>
          %parallel_loop3A_130 = arith.extui %parallel_loop3A_129 : vector<16xi1> to vector<16xi32>
          %parallel_loop3A_131 = arith.addi %parallel_loop3A_128, %parallel_loop3A_130 : vector<16xi32>
          %parallel_loop3A_132 = vector.shape_cast %parallel_loop3A_131 : vector<16xi32> to vector<16x1xi32>
          %parallel_loop3A_133 = vector.shape_cast %parallel_loop3A_132 : vector<16x1xi32> to vector<16xi32>
          %parallel_loop3A_134 = tpu.dynamic_gather %get3A_5[%parallel_loop3A_133] in [0] : vector<16xf32>, vector<16xi32> -> vector<16xf32>
          %parallel_loop3A_135 = arith.addi %parallel_loop3A_131, %parallel_loop3A_131 : vector<16xi32>
          %parallel_loop3A_136 = arith.cmpf olt, %parallel_loop3A_134, %parallel_loop3A_30 : vector<16xf32>
          %parallel_loop3A_137 = arith.extui %parallel_loop3A_136 : vector<16xi1> to vector<16xi32>
          %parallel_loop3A_138 = arith.addi %parallel_loop3A_135, %parallel_loop3A_137 : vector<16xi32>
          %parallel_loop3A_139 = arith.constant 16 : i32
          %parallel_loop3A_140 = vector.broadcast %parallel_loop3A_139 : i32 to vector<16xi32>
          %parallel_loop3A_141 = arith.subi %parallel_loop3A_138, %parallel_loop3A_140 : vector<16xi32>
          %parallel_loop3A_142 = vector.shape_cast %parallel_loop3A_141 : vector<16xi32> to vector<16x1xi32>
          %parallel_loop3A_143 = vector.shape_cast %parallel_loop3A_142 : vector<16x1xi32> to vector<16xi32>
          %parallel_loop3A_144 = tpu.dynamic_gather %get3A_7[%parallel_loop3A_143] in [0] : vector<16xf32>, vector<16xi32> -> vector<16xf32>
          %parallel_loop3A_145 = arith.addi %parallel_loop3A_138, %parallel_loop3A_138 : vector<16xi32>
          %parallel_loop3A_146 = arith.cmpf olt, %parallel_loop3A_144, %parallel_loop3A_30 : vector<16xf32>
          %parallel_loop3A_147 = arith.extui %parallel_loop3A_146 : vector<16xi1> to vector<16xi32>
          %parallel_loop3A_148 = arith.addi %parallel_loop3A_145, %parallel_loop3A_147 : vector<16xi32>
          %parallel_loop3A_149 = tpu.vector_load_idx %arg19[%parallel_loop3A_148] : memref<1024xf32, #tpu.memory_space<vmem>>[vector<16xi32>], vector<16xf32>,
          %parallel_loop3A_150 = arith.addi %parallel_loop3A_148, %parallel_loop3A_148 : vector<16xi32>
          %parallel_loop3A_151 = arith.cmpf olt, %parallel_loop3A_149, %parallel_loop3A_30 : vector<16xf32>
          %parallel_loop3A_152 = arith.extui %parallel_loop3A_151 : vector<16xi1> to vector<16xi32>
          %parallel_loop3A_153 = arith.addi %parallel_loop3A_150, %parallel_loop3A_152 : vector<16xi32>
          %parallel_loop3A_154 = tpu.vector_load_idx %arg19[%parallel_loop3A_153] : memref<1024xf32, #tpu.memory_space<vmem>>[vector<16xi32>], vector<16xf32>,
          %parallel_loop3A_155 = arith.addi %parallel_loop3A_153, %parallel_loop3A_153 : vector<16xi32>
          %parallel_loop3A_156 = arith.cmpf olt, %parallel_loop3A_154, %parallel_loop3A_30 : vector<16xf32>
          %parallel_loop3A_157 = arith.extui %parallel_loop3A_156 : vector<16xi1> to vector<16xi32>
          %parallel_loop3A_158 = arith.addi %parallel_loop3A_155, %parallel_loop3A_157 : vector<16xi32>
          %parallel_loop3A_159 = tpu.vector_load_idx %arg19[%parallel_loop3A_158] : memref<1024xf32, #tpu.memory_space<vmem>>[vector<16xi32>], vector<16xf32>,
          %parallel_loop3A_160 = arith.addi %parallel_loop3A_158, %parallel_loop3A_158 : vector<16xi32>
          %parallel_loop3A_161 = arith.cmpf olt, %parallel_loop3A_159, %parallel_loop3A_30 : vector<16xf32>
          %parallel_loop3A_162 = arith.extui %parallel_loop3A_161 : vector<16xi1> to vector<16xi32>
          %parallel_loop3A_163 = arith.addi %parallel_loop3A_160, %parallel_loop3A_162 : vector<16xi32>
          %parallel_loop3A_164 = tpu.vector_load_idx %arg19[%parallel_loop3A_163] : memref<1024xf32, #tpu.memory_space<vmem>>[vector<16xi32>], vector<16xf32>,
          %parallel_loop3A_165 = arith.addi %parallel_loop3A_163, %parallel_loop3A_163 : vector<16xi32>
          %parallel_loop3A_166 = arith.cmpf olt, %parallel_loop3A_164, %parallel_loop3A_30 : vector<16xf32>
          %parallel_loop3A_167 = arith.extui %parallel_loop3A_166 : vector<16xi1> to vector<16xi32>
          %parallel_loop3A_168 = arith.addi %parallel_loop3A_165, %parallel_loop3A_167 : vector<16xi32>
          %parallel_loop3A_169 = tpu.vector_load_idx %arg19[%parallel_loop3A_168] : memref<1024xf32, #tpu.memory_space<vmem>>[vector<16xi32>], vector<16xf32>,
          %parallel_loop3A_170 = arith.addi %parallel_loop3A_168, %parallel_loop3A_168 : vector<16xi32>
          %parallel_loop3A_171 = arith.cmpf olt, %parallel_loop3A_169, %parallel_loop3A_30 : vector<16xf32>
          %parallel_loop3A_172 = arith.extui %parallel_loop3A_171 : vector<16xi1> to vector<16xi32>
          %parallel_loop3A_173 = arith.addi %parallel_loop3A_170, %parallel_loop3A_172 : vector<16xi32>
          %parallel_loop3A_174 = arith.constant 1024 : i32
          %parallel_loop3A_175 = vector.broadcast %parallel_loop3A_174 : i32 to vector<16xi32>
          %parallel_loop3A_176 = arith.subi %parallel_loop3A_173, %parallel_loop3A_175 : vector<16xi32>
          %parallel_loop3A_177 = tpu.vector_load_idx %arg24[%parallel_loop3A_176] : memref<1024xf32, #tpu.memory_space<vmem>>[vector<16xi32>], vector<16xf32>,
          %parallel_loop3A_178 = tpu.vector_load_idx %arg25[%parallel_loop3A_176] : memref<1024xf32, #tpu.memory_space<vmem>>[vector<16xi32>], vector<16xf32>,
          %parallel_loop3A_179 = tpu.vector_load_idx %arg26[%parallel_loop3A_176] : memref<1024xf32, #tpu.memory_space<vmem>>[vector<16xi32>], vector<16xf32>,
          %parallel_loop3A_180 = tpu.vector_load_idx %arg27[%parallel_loop3A_176] : memref<1024xf32, #tpu.memory_space<vmem>>[vector<16xi32>], vector<16xf32>,
          %parallel_loop3A_181 = arith.mulf %parallel_loop3A_180, %parallel_loop3A_30 : vector<16xf32>
          %parallel_loop3A_182 = arith.addf %parallel_loop3A_181, %parallel_loop3A_179 : vector<16xf32>
          %parallel_loop3A_183 = arith.mulf %parallel_loop3A_182, %parallel_loop3A_30 : vector<16xf32>
          %parallel_loop3A_184 = arith.addf %parallel_loop3A_183, %parallel_loop3A_178 : vector<16xf32>
          %parallel_loop3A_185 = arith.mulf %parallel_loop3A_184, %parallel_loop3A_30 : vector<16xf32>
          %parallel_loop3A_186 = arith.addf %parallel_loop3A_185, %parallel_loop3A_177 : vector<16xf32>
          %parallel_loop3A_187 = arith.mulf %parallel_loop3A_108, %parallel_loop3A_186 : vector<16xf32>
          %parallel_loop3A_188 = arith.constant 16 : i32
          %parallel_loop3A_189 = arith.muli %parallel_loop3A_22, %parallel_loop3A_188 : i32
          %parallel_loop3A_190 = arith.index_cast %parallel_loop3A_189 : i32 to index
          %parallel_loop3A_191 = tpu.vector_load %arg17[%parallel_loop3A_190] {strides = array<i32>} : memref<32000xf32, #tpu.memory_space<vmem>>, vector<16xf32>,
          tpu.vector_store %arg17[%parallel_loop3A_190], %parallel_loop3A_187 {strides = array<i32>} : memref<32000xf32, #tpu.memory_space<vmem>>, vector<16xf32>,
        } {sc.loop_unroll_factor = 10 : i64, sc.parallel_access}
        "tpu.region"() ({
          %run_scoped3A = tpu.sem_alloc : memref<!tpu.dma_semaphore, #tpu.memory_space<semaphore_mem>>
          %dma_start3A = tpu.memref_slice %arg14[%mul3A_19] : memref<4000000xf32, #tpu.memory_space<hbm>> -> memref<32000xf32, #tpu.memory_space<hbm>>
          %dma_start3A_22 = tpu.memref_slice %arg14[%mul3A_19] : memref<4000000xf32, #tpu.memory_space<hbm>> -> memref<32000xf32, #tpu.memory_space<hbm>>
          tpu.enqueue_dma source(%arg17 : memref<32000xf32, #tpu.memory_space<vmem>>) target(%dma_start3A_22 : memref<32000xf32, #tpu.memory_space<hbm>>) target_semaphore(%run_scoped3A : memref<!tpu.dma_semaphore, #tpu.memory_space<semaphore_mem>>)
          %dma_wait3A = tpu.memref_slice %arg14[%mul3A_19] : memref<4000000xf32, #tpu.memory_space<hbm>> -> memref<32000xf32, #tpu.memory_space<hbm>>
          %dma_wait3A_23 = tpu.memref_slice %arg14[%mul3A_19] : memref<4000000xf32, #tpu.memory_space<hbm>> -> memref<32000xf32, #tpu.memory_space<hbm>>
          tpu.wait_dma2 semaphore(%run_scoped3A : memref<!tpu.dma_semaphore, #tpu.memory_space<semaphore_mem>>) src(%arg17 : memref<32000xf32, #tpu.memory_space<vmem>>) dst(%dma_wait3A_23 : memref<32000xf32, #tpu.memory_space<hbm>>)
          tpu.yield
        }) : () -> ()
      } else {
      }
    }
    %scan3A_11 = arith.constant 4 : i32
    return
  }
}

module attributes {stable_mosaic.version = 14 : i64} {
  func.func @body(%arg0: i32, %arg1: memref<2x32000xf32, #tpu.memory_space<vmem>>, %arg2: memref<4000000xf32, #tpu.memory_space<vmem>>, %arg3: memref<4000000xf32, #tpu.memory_space<vmem>>) attributes {dimension_semantics = [#tpu.dimension_semantics<arbitrary>], iteration_bounds = array<i64: 125>, scalar_prefetch = 0 : i64, scratch_operands = 0 : i64, tpu.core_type = #tpu.core_type<tc>, window_params = [{transform_indices = @transform_0, window_bounds = array<i64: 2, 32000>}, {pipeline_mode = #tpu.pipeline_mode<synchronous>, transform_indices = @transform_1, window_bounds = array<i64: 4000000>}, {pipeline_mode = #tpu.pipeline_mode<synchronous>, transform_indices = @transform_2, window_bounds = array<i64: 4000000>}]} {
    %get3A = arith.constant 0 : index
    %get3A_0 = arith.constant 0 : index
    %get3A_1 = vector.load %arg1[%get3A, %get3A_0] : memref<2x32000xf32, #tpu.memory_space<vmem>>, vector<1x32000xf32>
    %get3A_2 = vector.shape_cast %get3A_1 : vector<1x32000xf32> to vector<32000xf32>
    %mul3A = arith.constant 32000 : i32
    %mul3A_3 = arith.muli %arg0, %mul3A : i32
    %swap3A = arith.index_cast %mul3A_3 : i32 to index
    %swap3A_4 = vector.load %arg2[%swap3A] : memref<4000000xf32, #tpu.memory_space<vmem>>, vector<32000xf32>
    tpu.vector_store %arg2[%swap3A], %get3A_2 {strides = array<i32>} : memref<4000000xf32, #tpu.memory_space<vmem>>, vector<32000xf32>,
    %get3A_5 = arith.constant 1 : index
    %get3A_6 = arith.constant 0 : index
    %get3A_7 = vector.load %arg1[%get3A_5, %get3A_6] : memref<2x32000xf32, #tpu.memory_space<vmem>>, vector<1x32000xf32>
    %get3A_8 = vector.shape_cast %get3A_7 : vector<1x32000xf32> to vector<32000xf32>
    %mul3A_9 = arith.constant 32000 : i32
    %mul3A_10 = arith.muli %arg0, %mul3A_9 : i32
    %swap3A_11 = arith.index_cast %mul3A_10 : i32 to index
    %swap3A_12 = vector.load %arg3[%swap3A_11] : memref<4000000xf32, #tpu.memory_space<vmem>>, vector<32000xf32>
    tpu.vector_store %arg3[%swap3A_11], %get3A_8 {strides = array<i32>} : memref<4000000xf32, #tpu.memory_space<vmem>>, vector<32000xf32>,
    return
  }
  func.func @transform_0(%arg0: i32) -> (i32, i32) {
    %c0_i32 = arith.constant 0 : i32
    %c0_i32_0 = arith.constant 0 : i32
    return %c0_i32, %arg0 : i32, i32
  }
  func.func @transform_1(%arg0: i32) -> i32 {
    %c0_i32 = arith.constant 0 : i32
    %c0_i32_0 = arith.constant 0 : i32
    return %c0_i32 : i32
  }
  func.func @transform_2(%arg0: i32) -> i32 {
    %c0_i32 = arith.constant 0 : i32
    %c0_i32_0 = arith.constant 0 : i32
    return %c0_i32 : i32
  }
}

</mosaic_0001>

<sc_bundles>
// kernel: kernel.4.cloned.1.call-start
scs
__scs_entry_jumppad:
0x0: {  	(pc) =	sbr.rel $0x88, $3  }
0x1: {  	(tag) =	ssettag $0x0;
	lr =	simm.s32 $0x1  }
0x2: {  	[smem:$0x3F9B] =	sst lr;
	_ =	strace $0xD0000000  }
0x3: {  	_ = 	snop  }
0x4: {  	_ = 	snop  }
0x5: {  	_ = 	snop  }
0x6: {  	_ = 	snop  }
0x7: {  	_ = 	snop  }
__scs_overlays_trampoline_lowered:
0x8: {  	[smem:$0x3FAA] =	sst s0  }
0x9: {  	[smem:$0x3FAB] =	sst s1  }
0xa: {  	[smem:$0x3FAC] =	sst s2  }
0xb: {  	[smem:$0x3FAD] =	sst s3  }
0xc: {  	[smem:$0x3FAE] =	sst s4  }
0xd: {  	[smem:$0x3FAF] =	sst s5  }
0xe: {  	[smem:$0x3FB0] =	sst s6  }
0xf: {  	[smem:$0x3FB1] =	sst s7  }
0x10: {  	[smem:$0x3FB2] =	sst s8  }
0x11: {  	[smem:$0x3FB3] =	sst s9;
	s0 =	simm.s32 @!p0 $0x0  }
0x12: {  	s1 =	sld [smem:$0x3F99];
	s0 =	simm.s32 @p0 $0x1  }
0x13: {  	[smem:$0x3FB4] =	sst s0;
	s0 =	simm.s32 @!p1 $0x0  }
0x14: {  	s2 =	sld [smem:$0x3F98];
	s0 =	simm.s32 @p1 $0x1  }
0x15: {  	[smem:$0x3FB5] =	sst s0;
	s0 =	simm.s32 @!p2 $0x0  }
0x16: {  	s3 =	sld [smem:$0x3FDB];
	s0 =	simm.s32 @p2 $0x1  }
0x17: {  	s4 =	simm.s32 $0x1BF5;
	[smem:$0x3FB7] =	sst s0  }
0x18: {  	s0 =	sld [smem:$0x3F9A];
	_ =	swait.ge [sflag:s4], $0x0  }
0x19: {  	s7 =	sld [smem:$0x3F9B]  }
0x1a: {  	s8 =	sadd.s32 $0xFFFFE003, lr  }
0x1b: {  	s9 =	sadd.s32 $0xFFFFFEF7, lr;
	s5 =	simm.s32 $0xFFFFFFFF;
	p2 =	slt.u32 s8, $0xFFFFF086  }
0x1c: {  	p1 =	slt.u32 s9, $0xF7A;
	s5 =	simm.s32 @!p2 $0x0  }
0x1d: {  	s5 =	simm.s32 @p1 $0x1;
	p0 =	seq.s32 s7, s2  }
0x1e: {  	s7 =	smul.u32 @!p0 $0xF7A, s2;
	p2 =	seq.s32 @!p0 s5, $0x0  }
0x1f: {  	s9 =	smul.u32 $0xF7A, s1;
	s8 =	simm.s32 @!p0 $0x1BF5;
	p2 =	por !p2, p0  }
0x20: {  	[sflag:s8] =	ssyncset.s32 @!p0 $0xFFFFF086;
	s6 =	sadd.s32 @!p0 s3, s7;
	s7 =	simm.s32 @!p0 $0x108  }
0x21: {  	s3 =	sadd.s32 s3, s9;
	s6 =	sadd.s32 @!p0 $0x88, s6;
	s7 =	simm.s32 @p2 $0x1082  }
0x22: {  	[simem:s7], [sflag:s8] =	dma.local @!p0 [hbm:s6], $0xF7A  }
0x23: {  	s9 =	sor.u32 $0xD0000000, s2;
	s6 =	simm.s32 $0x108;
	_ =	swait.ge @!p0 [sflag:s8], $0x0  }
0x24: {  	s3 =	sadd.s32 $0x88, s3;
	s6 =	simm.s32 @!p1 $0x1082;
	[sflag:s4] =	ssyncset.s32 $0xFFFFF086  }
0x25: {  	[simem:s6], [sflag:s4] =	dma.local [hbm:s3], $0xF7A  }
0x26: {  	[smem:$0x3F9B] =	sst s1;
	(tag) =	ssettag s2;
	_ =	strace s9  }
0x27: {  	s1 =	sld [smem:$0x3FAB]  }
0x28: {  	s2 =	sld [smem:$0x3FAC]  }
0x29: {  	s4 =	sld [smem:$0x3FAE]  }
0x2a: {  	p0 =	seq.s32 s5, $0x0;
	s5 =	sld [smem:$0x3FAF]  }
0x2b: {  	s6 =	sld [smem:$0x3FB0]  }
0x2c: {  	s7 =	sld [smem:$0x3FB1]  }
0x2d: {  	s3 =	simm.s32 $0x108;
	s8 =	sld [smem:$0x3FB2]  }
0x2e: {  	s3 =	simm.s32 @!p0 $0x1082;
	s9 =	sld [smem:$0x3FB3]  }
0x2f: {  	lr =	sadd.s32 s0, s3;
	s0 =	sld [smem:$0x3FAA]  }
0x30: {  	s3 =	sld [smem:$0x3FAD]  }
0x31: {  	[smem:$0x3FB6] =	sst s10  }
0x32: {  	s10 =	sld [smem:$0x3FB4];
	_ =	sdelay $0x3  }
0x33: {  	p0 =	seq.s32 s10, $0x1;
	s10 =	sld [smem:$0x3FB6];
	_ =	sdelay $0x3  }
0x34: {  	[smem:$0x3FB6] =	sst s10  }
0x35: {  	s10 =	sld [smem:$0x3FB5];
	_ =	sdelay $0x3  }
0x36: {  	p1 =	seq.s32 s10, $0x1;
	s10 =	sld [smem:$0x3FB6];
	_ =	sdelay $0x3  }
0x37: {  	[smem:$0x3FB6] =	sst s10  }
0x38: {  	s10 =	sld [smem:$0x3FB7]  }
0x39: {  	_ = 	snop;
	(pc) =	sbr.ind lr, $3  }
0x3a: {  	_ = 	snop  }
0x3b: {  	_ = 	snop  }
0x3c: {  	p2 =	seq.s32 s10, $0x1;
	s10 =	sld [smem:$0x3FB6]  }
0x3d: {  	_ =	shalt  }
0x3e: {  	_ =	shalt  }
0x3f: {  	_ =	shalt  }
0x40: {  	_ =	shalt  }
0x41: {  	_ =	shalt  }
0x42: {  	_ =	shalt  }
0x43: {  	_ =	shalt  }
0x44: {  	_ =	shalt  }
0x45: {  	_ =	shalt  }
0x46: {  	_ =	shalt  }
0x47: {  	_ =	shalt  }
0x48: {  	_ =	shalt  }
0x49: {  	_ =	shalt  }
0x4a: {  	_ =	shalt  }
0x4b: {  	_ =	shalt  }
0x4c: {  	_ =	shalt  }
0x4d: {  	_ =	shalt  }
0x4e: {  	_ =	shalt  }
0x4f: {  	_ =	shalt  }
0x50: {  	_ =	shalt  }
0x51: {  	_ =	shalt  }
0x52: {  	_ =	shalt  }
0x53: {  	_ =	shalt  }
0x54: {  	_ =	shalt  }
0x55: {  	_ =	shalt  }
0x56: {  	_ =	shalt  }
0x57: {  	_ =	shalt  }
0x58: {  	_ =	shalt  }
0x59: {  	_ =	shalt  }
0x5a: {  	_ =	shalt  }
0x5b: {  	_ =	shalt  }
0x5c: {  	_ =	shalt  }
0x5d: {  	_ =	shalt  }
0x5e: {  	_ =	shalt  }
0x5f: {  	_ =	shalt  }
0x60: {  	_ =	shalt  }
0x61: {  	_ =	shalt  }
0x62: {  	_ =	shalt  }
0x63: {  	_ =	shalt  }
0x64: {  	_ =	shalt  }
0x65: {  	_ =	shalt  }
0x66: {  	_ =	shalt  }
0x67: {  	_ =	shalt  }
0x68: {  	_ =	shalt  }
0x69: {  	_ =	shalt  }
0x6a: {  	_ =	shalt  }
0x6b: {  	_ =	shalt  }
0x6c: {  	_ =	shalt  }
0x6d: {  	_ =	shalt  }
0x6e: {  	_ =	shalt  }
0x6f: {  	_ =	shalt  }
0x70: {  	_ =	shalt  }
0x71: {  	_ =	shalt  }
0x72: {  	_ =	shalt  }
0x73: {  	_ =	shalt  }
0x74: {  	_ =	shalt  }
0x75: {  	_ =	shalt  }
0x76: {  	_ =	shalt  }
0x77: {  	_ =	shalt  }
0x78: {  	_ =	shalt  }
0x79: {  	_ =	shalt  }
0x7a: {  	_ =	shalt  }
0x7b: {  	_ =	shalt  }
0x7c: {  	_ =	shalt  }
0x7d: {  	_ =	shalt  }
0x7e: {  	_ =	shalt  }
0x7f: {  	_ =	shalt  }
0x80: {  	_ =	shalt  }
0x81: {  	_ =	shalt  }
0x82: {  	_ =	shalt  }
0x83: {  	_ =	shalt  }
0x84: {  	_ =	shalt  }
0x85: {  	_ =	shalt  }
0x86: {  	_ =	shalt  }
0x87: {  	_ =	shalt  }
.Lfunc_end0:
.L_simem_size_0:
called_computation_lowered:
.L_overlay_start_0:
0x88: {  	s2 =	sld [smem:$0x3FD9]  }
0x89: {  	s3 =	sld [smem:$0x3FFE];
	_ =	sdelay $0x1  }
0x8a: {  	s1 =	srdreg.scid  }
0x8b: {  	s0 =	sand.u32 $0x1, s1  }
0x8c: {  	s17 =	sshll.u32 s0, $0xA;
	s2 =	sadd.s32 s3, s2  }
0x8d: {  	s2 =	sadd.s32 s2, s17  }
0x8e: {  	[smem:$0x3FC2] =	sst s2  }
0x8f: {  	_ = 	snop  }
0x90: {  	s2 =	sld [smem:$0x3FD0];
	(tm) =	ssettm $0x1  }
0x91: {  	s18 =	sld [smem:$0x3FFB];
	_ =	sdelay $0x3  }
0x92: {  	_ =	strace s18  }
0x93: {  	s3 =	sld [smem:$0x3FFC];
	_ =	sdelay $0x3  }
0x94: {  	_ =	strace s3  }
0x95: {  	s3 =	sld [smem:$0x3FFD];
	_ =	sdelay $0x3  }
0x96: {  	_ =	strace s3  }
0x97: {  	_ =	strace $0x8FFFFFFF  }
0x98: {  	s19 =	sld [smem:$0x3FDB];
	_ =	sdelay $0x1  }
0x99: {  	s4 =	simm.s32 $_scs_section_size  }
0x9a: {  	s5 =	simm.s32 $_size__tile_overlayer_lowered;
	s6 =	simm.s32 $_tile_overlayer_lowered  }
0x9b: {  	s22 =	simm.s32 $0x1BFF;
	s21 =	sshll.u32 s6, $0x1;
	s3 =	sadd.s32 s4, s19  }
0x9c: {  	s7 =	simm.s32 $0x0;
	s20 =	sshll.u32 s5, $0x1;
	s5 =	sadd.s32 s21, s3  }
0x9d: {  	[timem:s7], [sflag:s22] =	dma.local [hbm:s5], s20  }
0x9e: {  	_ =	swait.ge [sflag:s22], s20  }
0x9f: {  	s4 =	ssub.s32 $0x0, s20;
	[sflag:s22] =	ssyncset.done $0x0  }
0xa0: {  	[sflag:s22] =	ssyncadd.s32 s4;
	_ =	sdelay $0x1  }
0xa1: {  	s23 =	simm.s32 $0x1B8B  }
0xa2: {  	_ =	swait.ge [sflag:s23], $0x1  }
0xa3: {  	[sflag:s23] =	ssyncset.done $0x0  }
0xa4: {  	s25 =	simm.s32 $0x1B8E;
	s24 =	sld [smem:$0x3FFE];
	[sflag:s23] =	ssyncadd.s32 $0xFFFFFFFF  }
0xa5: {  	s26 =	simm.s32 $execute0_lowered;
	[smem:$0x3FD2] =	sst s25  }
0xa6: {  	s5 =	sshll.u32 s26, $0x1;
	_ =	strace $0x80000046;
	[dreg:$0x1] =	wrdreg $0xFFFFFFFF  }
0xa7: {  	s28 =	simm.s32 $_size_execute0_lowered;
	s3 =	sadd.s32 s3, s5;
	[dreg:$0x0] =	wrdreg $0x0  }
0xa8: {  	s5 =	sshll.u32 s28, $0x1;
	[dreg:$0x2] =	wrdreg s3  }
0xa9: {  	[dreg:$0x3] =	wrdreg s5  }
0xaa: {  	[dreg:$0x4] =	wrdreg $0xC0  }
0xab: {  	_ =	task [dreg:s7], $0x5FFFF  }
0xac: {  	[dreg:$0x1] =	wrdreg $0xFFFFFFFF  }
0xad: {  	[dreg:$0x0] =	wrdreg $0x60  }
0xae: {  	[dreg:$0x2] =	wrdreg s24  }
0xaf: {  	[dreg:$0x3] =	wrdreg s2  }
0xb0: {  	[dreg:$0x4] =	wrdreg $0x9  }
0xb1: {  	_ =	task.clear_ibuf [dreg:s7], $0x5FFFF;
	_ =	strace $0x90000046  }
0xb2: {  	s29 =	simm.s32 $0x9;
	_ =	strace $0x80000048  }
0xb3: {  	_ =	swait.ge [sflag:s29], $0x1  }
0xb4: {  	[sflag:s29] =	ssyncadd.s32 $0xFFFFFFFF  }
0xb5: {  	_ =	strace $0x90000048  }
0xb6: {  	_ =	sfence  }
0xb7: {  	s30 =	sld [smem:$0x0];
	_ =	sdelay $0x2  }
0xb8: {  	s31 =	sshll.u32 s1, $0xD;
	s1 =	sshrl.u32 s1, $0x2  }
0xb9: {  	s3 =	sand.u32 $0x4000, s31;
	s1 =	sadd.s32 s1, s30  }
0xba: {  	s0 =	sor.u32 s3, s0;
	s1 =	sshll.u32 s1, $0x11  }
0xbb: {  	s0 =	sor.u32 s1, s0  }
0xbc: {  	s0 =	sadd.s32 $0x8F2B, s0  }
0xbd: {  	[sflag:s0] =	ssyncadd.remote.s32 $0x1  }
0xbe: {  	_ =	sfence.sel $0xFFFF  }
0xbf: {  	[dreg:$0x0] =	wrdreg $0xFFFFFFFF;
	(pc) =	sbr.abs _section_cstart, $3  }
0xc0: {  	[dreg:$0x1] =	wrdreg $0xFFFFFFFF  }
0xc1: {  	_ =	task.clear_ibuf [dreg:s7], $0x2FFFF;
	_ =	strace $0x9FFFFFFF  }
0xc2: {  	(tm) =	ssettm $0x7FFFFFFF  }
0xc3: {  	_ =	shalt  }
tec
execute0_lowered:
.L_overlay_start_1:
0x0: {  	(tag) =	ssettag $0x1  }
0x1: {  	s0 =	rddreg [dreg:$0x0]  }
0x2: {  	s1 =	rddreg [dreg:$0x1];
	s2 =	simm.s32 $0x0  }
0x3: {  	s20 =	srdreg.scid;
	s7 =	stileid.u32;
	s28 =	simm.s32 $0x19300  }
0x4: {  	s29 =	simm.s32 $0x19700;
	s30 =	simm.s32 $0x19B00;
	s31 =	simm.s32 $0x2  }
0x5: {  	s12 =	simm.s32 $0xFA00;
	[smem:$0x7FF] =	sst s2;
	s3 =	sadd.s32 $0x7BE00, s0  }
0x6: {  	s4 =	sadd.s32 $0x1C00, s0;
	s5 =	sadd.s32 $0xF6200, s0;
	s19 =	sadd.s32 $0xF6000, s0  }
0x7: {  	s6 =	sadd.s32 $0xF6600, s0;
	s21 =	sadd.s32 $0xF6400, s0;
	s9 =	sand.u32 $0x1, s20  }
0x8: {  	s22 =	sadd.s32 $0xF6E00, s0;
	_ =	strace $0x80000047;
	[dreg:$0x3] =	wrdreg s5  }
0x9: {  	s23 =	sadd.s32 $0xF6C00, s0;
	s25 =	sadd.s32 $0xF6A00, s0;
	[dreg:$0x4] =	wrdreg s19  }
0xa: {  	s14 =	sadd.s32 $0xF6800, s0;
	s15 =	sadd.s32 $0xF7200, s0;
	[dreg:$0x5] =	wrdreg s6  }
0xb: {  	s16 =	sadd.s32 $0xF7000, s0;
	s17 =	sshll.u32 s7, $0x1;
	[dreg:$0x6] =	wrdreg s21  }
0xc: {  	s20 =	simm.s32 $0x1;
	s0 =	simm.s32 $0x7D00;
	[dreg:$0x7] =	wrdreg s22  }
.Ltmp0:
0xd: {  	[dreg:$0x8] =	wrdreg s23;
	s24 =	ssub.s32 $0x2, s9;
	(pc) =	sbr.rel .LBB2_1-.Ltmp0, $4  }
0xe: {  	[dreg:$0x9] =	wrdreg s25;
	s19 =	simm.s32 $0x17700;
	s21 =	simm.s32 $0x17B00  }
0xf: {  	s22 =	simm.s32 $0x17F00;
	s23 =	simm.s32 $0x18300;
	s26 =	sshrl.u32 s24, $0x1  }
0x10: {  	v0 =	vimm.s32 $0x1;
	s25 =	simm.s32 $0x18B00;
	s5 =	ssub.s32 s24, s26;
	s24 =	simm.s32 $0x18700  }
0x11: {  	v1 =	vimm.s32 $0x2;
	v2 =	vimm.s32 $0x4;
	v3 =	vimm.s32 $0x0;
	s26 =	simm.s32 $0x18F00;
	s18 =	smax.u32 s5, $0x1;
	s5 =	simm.s32 $0x0  }
.LBB2_7:
0x12: {  	s5 =	sadd.s32 $0x1, s5  }
0x13: {  	p0 =	sne.s32 s5, s18  }
.Ltmp1:
0x14: {  	_ = 	snop;
	(pc) =	sbr.rel @!p0 .LBB2_8-.Ltmp1, $1  }
0x15: {  	_ =	sdelay $0x3  }
.LBB2_1:
0x16: {  	s6 =	rddreg [dreg:$0x3]  }
0x17: {  	[tilespmem:s19], [sflag:$0x1] =	stream.linear.gather [hbm4b:s6+s2], $0x400, $0x38;
	[tilespmem:$0x19F00] =	vst v63  }
0x18: {  	_ =	swait.ge [sflag:s20], $0x400  }
0x19: {  	[sflag:s20] =	ssyncset.done $0x0  }
0x1a: {  	s13 =	rddreg [dreg:$0x4];
	[sflag:s20] =	ssyncadd.s32 $0xFFFFFC00  }
0x1b: {  	[tilespmem:s21], [sflag:$0x1] =	stream.linear.gather [hbm4b:s13+s2], $0x400, $0x38;
	[tilespmem:$0x19F00] =	vst v63  }
0x1c: {  	_ =	swait.ge [sflag:s20], $0x400  }
0x1d: {  	[sflag:s20] =	ssyncset.done $0x0  }
0x1e: {  	s7 =	rddreg [dreg:$0x5];
	[sflag:s20] =	ssyncadd.s32 $0xFFFFFC00  }
0x1f: {  	[tilespmem:s22], [sflag:$0x1] =	stream.linear.gather [hbm4b:s7+s2], $0x400, $0x38;
	[tilespmem:$0x19F00] =	vst v63  }
0x20: {  	_ =	swait.ge [sflag:s20], $0x400  }
0x21: {  	[sflag:s20] =	ssyncset.done $0x0  }
0x22: {  	s8 =	rddreg [dreg:$0x6];
	[sflag:s20] =	ssyncadd.s32 $0xFFFFFC00  }
0x23: {  	[tilespmem:s23], [sflag:$0x1] =	stream.linear.gather [hbm4b:s8+s2], $0x400, $0x38;
	[tilespmem:$0x19F00] =	vst v63  }
0x24: {  	_ =	swait.ge [sflag:s20], $0x400  }
0x25: {  	[sflag:s20] =	ssyncset.done $0x0  }
0x26: {  	s10 =	rddreg [dreg:$0x7];
	[sflag:s20] =	ssyncadd.s32 $0xFFFFFC00  }
0x27: {  	[tilespmem:s24], [sflag:$0x1] =	stream.linear.gather [hbm4b:s10+s2], $0x400, $0x38;
	[tilespmem:$0x19F00] =	vst v63  }
0x28: {  	_ =	swait.ge [sflag:s20], $0x400  }
0x29: {  	[sflag:s20] =	ssyncset.done $0x0  }
0x2a: {  	s11 =	rddreg [dreg:$0x8];
	[sflag:s20] =	ssyncadd.s32 $0xFFFFFC00  }
0x2b: {  	[tilespmem:s25], [sflag:$0x1] =	stream.linear.gather [hbm4b:s11+s2], $0x400, $0x38;
	[tilespmem:$0x19F00] =	vst v63  }
0x2c: {  	_ =	swait.ge [sflag:s20], $0x400  }
0x2d: {  	[sflag:s20] =	ssyncset.done $0x0  }
0x2e: {  	s13 =	rddreg [dreg:$0x9];
	[sflag:s20] =	ssyncadd.s32 $0xFFFFFC00  }
0x2f: {  	[tilespmem:s26], [sflag:$0x1] =	stream.linear.gather [hbm4b:s13+s2], $0x400, $0x38;
	[tilespmem:$0x19F00] =	vst v63  }
0x30: {  	_ =	swait.ge [sflag:s20], $0x400  }
0x31: {  	[sflag:s20] =	ssyncset.done $0x0  }
0x32: {  	[sflag:s20] =	ssyncadd.s32 $0xFFFFFC00  }
0x33: {  	[tilespmem:s28], [sflag:$0x1] =	stream.linear.gather [hbm4b:s14+s2], $0x400, $0x38;
	[tilespmem:$0x19F00] =	vst v63  }
0x34: {  	_ =	swait.ge [sflag:s20], $0x400  }
0x35: {  	[sflag:s20] =	ssyncset.done $0x0  }
0x36: {  	[sflag:s20] =	ssyncadd.s32 $0xFFFFFC00  }
0x37: {  	[tilespmem:s29], [sflag:$0x1] =	stream.linear.gather [hbm4b:s15+s2], $0x400, $0x38;
	[tilespmem:$0x19F00] =	vst v63  }
0x38: {  	_ =	swait.ge [sflag:s20], $0x400  }
0x39: {  	[sflag:s20] =	ssyncset.done $0x0  }
0x3a: {  	[sflag:s20] =	ssyncadd.s32 $0xFFFFFC00  }
0x3b: {  	[tilespmem:s30], [sflag:$0x1] =	stream.linear.gather [hbm4b:s16+s2], $0x400, $0x38;
	[tilespmem:$0x19F00] =	vst v63  }
0x3c: {  	_ =	swait.ge [sflag:s20], $0x400  }
0x3d: {  	[sflag:s20] =	ssyncset.done $0x0  }
0x3e: {  	[sflag:s20] =	ssyncadd.s32 $0xFFFFFC00  }
0x3f: {  	v4 =	vld [tilespmem:$0x17700]  }
0x40: {  	v5 =	vld [tilespmem:$0x17B00]  }
.Ltmp2:
0x41: {  	_ = 	snop;
	(pc) =	sbr.rel .LBB2_2-.Ltmp2, $3  }
0x42: {  	_ =	sdelay $0x1  }
0x43: {  	v6 =	vld [tilespmem:$0x17710]  }
0x44: {  	s6 =	simm.s32 $0x0;
	v7 =	vld [tilespmem:$0x17B10];
	v8 =	vperm.xlane v4, v0;
	v9 =	vperm.xlane v5, v0  }
.LBB2_6:
0x45: {  	s6 =	sadd.s32 $0x1, s6  }
0x46: {  	p0 =	sne.s32 s6, $0x4  }
.Ltmp3:
0x47: {  	_ = 	snop;
	(pc) =	sbr.rel @!p0 .LBB2_7-.Ltmp3, $1  }
0x48: {  	_ =	sdelay $0x3  }
.LBB2_2:
0x49: {  	s7 =	sshll.u32 s6, $0x5  }
0x4a: {  	s7 =	sor.u32 s7, s17  }
0x4b: {  	s7 =	sor.u32 s9, s7  }
0x4c: {  	p0 =	sgt.u32 s7, $0x7C  }
.Ltmp4:
0x4d: {  	_ = 	snop;
	(pc) =	sbr.rel @p0 .LBB2_6-.Ltmp4, $1  }
0x4e: {  	_ =	sdelay $0x3  }
0x4f: {  	s7 =	smul.u32 $0xFA0, s7;
	_ =	sdelay $0x1  }
0x50: {  	s8 =	sadd.s32 s3, s7  }
0x51: {  	[tilespmem:s2], [sflag:$0x2] =	stream.linear.gather [hbm4b:s8+s2], $0x7D00, $0x38;
	[tilespmem:$0x19F00] =	vst v63  }
0x52: {  	_ =	swait.ge [sflag:s31], $0x7D00  }
0x53: {  	[sflag:s31] =	ssyncset.done $0x0  }
0x54: {  	s13 =	sadd.s32 s4, s7;
	[sflag:s31] =	ssyncadd.s32 $0xFFFF8300  }
0x55: {  	[tilespmem:s0], [sflag:$0x2] =	stream.linear.gather [hbm4b:s13+s2], $0x7D00, $0x38;
	[tilespmem:$0x19F00] =	vst v63  }
0x56: {  	_ =	swait.ge [sflag:s31], $0x7D00  }
0x57: {  	s10 =	simm.s32 $0x50;
	s11 =	simm.s32 $0x7D50;
	[sflag:s31] =	ssyncset.done $0x0  }
0x58: {  	s8 =	simm.s32 $0xFFFFFFF6;
	s13 =	simm.s32 $0xFA50;
	[sflag:s31] =	ssyncadd.s32 $0xFFFF8300  }
.LBB2_4:
0x59: {  	v12 =	vld [tilespmem:s10+$0xFFFFFFB0];
	_ =	sdelay $0x4  }
0x5a: {  	vm0 =	vlt.f32 v8, v12  }
0x5b: {  	v10 =	vsel vm0, $0x3, v1  }
0x5c: {  	v10 =	vperm.xlane v4, v10;
	_ =	sdelay $0x1  }
0x5d: {  	vm1 =	vlt.f32 v10, v12  }
0x5e: {  	v10 =	vsel vm0, $0x6, v2;
	v11 =	vsel vm1, $0x1, v3  }
0x5f: {  	v11 =	vor.u32 v11, v10  }
0x60: {  	v10 =	vperm.xlane v4, v11;
	_ =	sdelay $0x1  }
0x61: {  	vm10 =	vlt.f32 v10, v12  }
0x62: {  	v10 =	vshll.u32 v11, $0x1;
	v13 =	vsel vm10, $0x1, v3  }
0x63: {  	v13 =	vor.u32 v13, v10  }
0x64: {  	v14 =	vperm.xlane v4, v13;
	_ =	sdelay $0x1  }
0x65: {  	v10 =	vld [tilespmem:s11+$0xFFFFFFB0];
	vm11 =	vlt.f32 v14, v12  }
0x66: {  	v61 =	vshll.u32 v13, $0x1;
	v15 =	vsel vm11, $0x1, v3  }
0x67: {  	v14 =	vor.u32 v15, v61  }
0x68: {  	v15 =	vadd.s32 $0xFFFFFFF0, v14  }
0x69: {  	v15 =	vperm.xlane v6, v15  }
0x6a: {  	vm12 =	vlt.f32 v9, v10  }
0x6b: {  	v16 =	vsel vm12, $0x3, v1;
	vm13 =	vlt.f32 v15, v12  }
0x6c: {  	v14 =	vshll.u32 v14, $0x1;
	v16 =	vperm.xlane v5, v16;
	v15 =	vsel vm13, $0x1, v3  }
0x6d: {  	v14 =	vor.u32 v15, v14  }
0x6e: {  	v11 =	vshll.u32 v11, $0x3;
	vm14 =	vlt.f32 v16, v10;
	v20 =	vand.u32 $0x7, v14  }
0x6f: {  	v62 =	vsel vm12, $0x6, v2;
	v17 =	vsel vm14, $0x1, v3;
	v11 =	vor.u32 v11, v20  }
0x70: {  	v63 =	vor.u32 v17, v62  }
0x71: {  	v17 =	vperm.xlane v5, v63;
	_ =	sdelay $0x1  }
0x72: {  	vm15 =	vlt.f32 v17, v10  }
0x73: {  	v21 =	vshll.u32 v63, $0x1;
	v17 =	vsel vm15, $0x1, v3;
	v18 =	vld.idx.msk [tilespmem:v11+s19+$0x0], $0xffff  }
0x74: {  	v16 =	vor.u32 v17, v21;
	v11 =	vld [tilespmem:s10+$0xFFFFFFC0]  }
0x75: {  	v17 =	vperm.xlane v5, v16;
	_ =	sdelay $0x1  }
0x76: {  	vm4 =	vlt.f32 v17, v10  }
0x77: {  	v13 =	vshll.u32 v13, $0x3;
	v22 =	vshll.u32 v16, $0x1;
	v19 =	vsel vm4, $0x1, v3  }
0x78: {  	v14 =	vshll.u32 v14, $0x1;
	v17 =	vor.u32 v19, v22;
	vm6 =	vlt.f32 v8, v11  }
0x79: {  	v19 =	vadd.s32 $0xFFFFFFF0, v17;
	vm5 =	vlt.f32 v18, v12;
	v25 =	vsel vm6, $0x3, v1  }
0x7a: {  	v23 =	vperm.xlane v7, v19;
	v24 =	vsel vm5, $0x1, v3;
	v18 =	vperm.xlane v4, v25  }
0x7b: {  	v17 =	vshll.u32 v17, $0x1;
	v27 =	vsel vm6, $0x6, v2;
	v14 =	vor.u32 v24, v14  }
0x7c: {  	vm7 =	vlt.f32 v23, v10;
	v20 =	vand.u32 $0x7, v14;
	vm8 =	vlt.f32 v18, v11  }
0x7d: {  	v26 =	vsel vm7, $0x1, v3;
	v13 =	vor.u32 v13, v20;
	v28 =	vsel vm8, $0x1, v3  }
0x7e: {  	v17 =	vor.u32 v26, v17;
	v18 =	vor.u32 v28, v27  }
0x7f: {  	v15 =	vshll.u32 v63, $0x3;
	v19 =	vand.u32 $0x7, v17;
	v29 =	vperm.xlane v4, v18  }
0x80: {  	v15 =	vor.u32 v15, v19  }
0x81: {  	vm9 =	vlt.f32 v29, v11  }
0x82: {  	v31 =	vshll.u32 v18, $0x1;
	v30 =	vld.idx.msk [tilespmem:v13+s19+$0x0], $0xffff;
	v19 =	vsel vm9, $0x1, v3  }
0x83: {  	v13 =	vld [tilespmem:s11+$0xFFFFFFC0];
	v19 =	vor.u32 v19, v31  }
0x84: {  	v21 =	vperm.xlane v4, v19  }
0x85: {  	v15 =	vld.idx.msk [tilespmem:v15+s21+$0x0], $0xffff  }
0x86: {  	v16 =	vshll.u32 v16, $0x3;
	v14 =	vshll.u32 v14, $0x1;
	vm11 =	vlt.f32 v21, v11  }
0x87: {  	v17 =	vshll.u32 v17, $0x1;
	v32 =	vshll.u32 v19, $0x1;
	v22 =	vsel vm11, $0x1, v3  }
0x88: {  	vm10 =	vlt.f32 v30, v12;
	vm13 =	vlt.f32 v9, v13;
	v33 =	vor.u32 v22, v32  }
0x89: {  	v20 =	vsel vm10, $0x1, v3;
	v36 =	vsel vm13, $0x3, v1;
	v22 =	vadd.s32 $0xFFFFFFF0, v33  }
0x8a: {  	vm12 =	vlt.f32 v15, v10;
	v14 =	vor.u32 v20, v14;
	v35 =	vperm.xlane v6, v22  }
0x8b: {  	v38 =	vsel vm13, $0x6, v2;
	v34 =	vsel vm12, $0x1, v3;
	v22 =	vperm.xlane v5, v36  }
0x8c: {  	v15 =	vshll.u32 v33, $0x1;
	v17 =	vor.u32 v34, v17;
	vm14 =	vlt.f32 v35, v11  }
0x8d: {  	v23 =	vand.u32 $0x7, v17;
	vm15 =	vlt.f32 v22, v13;
	v37 =	vsel vm14, $0x1, v3  }
0x8e: {  	v16 =	vor.u32 v16, v23;
	v39 =	vsel vm15, $0x1, v3;
	v15 =	vor.u32 v37, v15  }
0x8f: {  	v18 =	vshll.u32 v18, $0x3;
	v41 =	vld.idx.msk [tilespmem:v14+s19+$0x0], $0xffff;
	v20 =	vor.u32 v39, v38;
	v40 =	vand.u32 $0x7, v15  }
0x90: {  	v21 =	vperm.xlane v5, v20;
	v18 =	vor.u32 v18, v40;
	_ =	sdelay $0x1  }
0x91: {  	vm4 =	vlt.f32 v21, v13  }
0x92: {  	v42 =	vshll.u32 v20, $0x1;
	v16 =	vld.idx.msk [tilespmem:v16+s21+$0x0], $0xffff;
	v43 =	vsel vm4, $0x1, v3  }
0x93: {  	vm5 =	vlt.f32 v41, v12;
	v21 =	vor.u32 v43, v42  }
0x94: {  	v14 =	vshll.u32 v14, $0x1;
	v22 =	vsel vm5, $0x1, v3;
	v23 =	vperm.xlane v5, v21;
	v18 =	vld.idx.msk [tilespmem:v18+s19+$0x0], $0xffff  }
0x95: {  	v14 =	vor.u32 v22, v14  }
0x96: {  	vm6 =	vlt.f32 v23, v13  }
0x97: {  	v44 =	vshll.u32 v21, $0x1;
	vm7 =	vlt.f32 v16, v10;
	v23 =	vsel vm6, $0x1, v3  }
0x98: {  	v17 =	vshll.u32 v17, $0x1;
	v46 =	vsel vm7, $0x1, v3;
	v45 =	vor.u32 v23, v44  }
0x99: {  	v17 =	vor.u32 v46, v17;
	v47 =	vadd.s32 $0xFFFFFFF0, v45;
	vm8 =	vlt.f32 v18, v11  }
0x9a: {  	v15 =	vshll.u32 v15, $0x1;
	v50 =	vld.idx.msk [tilespmem:v14+s19+$0x0], $0xffff;
	v18 =	vperm.xlane v7, v47;
	v48 =	vsel vm8, $0x1, v3  }
0x9b: {  	v49 =	vor.u32 v48, v15  }
0x9c: {  	v51 =	vshll.u32 v19, $0x3;
	vm9 =	vlt.f32 v18, v13;
	v15 =	vld [tilespmem:s10+$0xFFFFFFD0];
	v24 =	vand.u32 $0x7, v49  }
0x9d: {  	v16 =	vshll.u32 v45, $0x1;
	v52 =	vsel vm9, $0x1, v3;
	v18 =	vor.u32 v51, v24  }
0x9e: {  	v53 =	vld.idx.msk [tilespmem:v17+s21+$0x0], $0xffff;
	v16 =	vor.u32 v52, v16  }
0x9f: {  	v20 =	vshll.u32 v20, $0x3;
	vm10 =	vlt.f32 v50, v12;
	v19 =	vand.u32 $0x7, v16  }
0xa0: {  	v14 =	vshll.u32 v14, $0x1;
	v54 =	vsel vm10, $0x1, v3;
	v19 =	vor.u32 v20, v19  }
0xa1: {  	v14 =	vor.u32 v54, v14;
	vm11 =	vlt.f32 v8, v15  }
0xa2: {  	v55 =	vsel vm11, $0x3, v1;
	v18 =	vld.idx.msk [tilespmem:v18+s19+$0x0], $0xffff  }
0xa3: {  	vm12 =	vlt.f32 v53, v10;
	v56 =	vperm.xlane v4, v55  }
0xa4: {  	v17 =	vshll.u32 v17, $0x1;
	v57 =	vsel vm12, $0x1, v3  }
0xa5: {  	v21 =	vshll.u32 v21, $0x3;
	v17 =	vor.u32 v57, v17;
	v19 =	vld.idx.msk [tilespmem:v19+s21+$0x0], $0xffff;
	vm13 =	vlt.f32 v56, v15  }
0xa6: {  	v22 =	vshll.u32 v49, $0x1;
	v58 =	vsel vm11, $0x6, v2;
	v61 =	vld.idx.msk [tilespmem:v14+s19+$0x0], $0xffff;
	v59 =	vsel vm13, $0x1, v3  }
0xa7: {  	v16 =	vshll.u32 v16, $0x1;
	v60 =	vor.u32 v59, v58;
	vm14 =	vlt.f32 v18, v11  }
0xa8: {  	v14 =	vshll.u32 v14, $0x1;
	v24 =	vperm.xlane v4, v60;
	v62 =	vsel vm14, $0x1, v3  }
0xa9: {  	v34 =	vand.u32 $0x6, v14;
	v14 =	vand.u32 $0x7FFFFFF8, v14;
	v22 =	vor.u32 v62, v22  }
0xaa: {  	v29 =	vshll.u32 v60, $0x1;
	v32 =	vld.idx.msk [tilespmem:v17+s21+$0x0], $0xffff;
	vm15 =	vlt.f32 v19, v13;
	vm4 =	vlt.f32 v24, v15  }
0xab: {  	vm5 =	vlt.f32 v61, v12;
	v19 =	vsel vm15, $0x1, v3;
	v30 =	vsel vm4, $0x1, v3  }
0xac: {  	v33 =	vsel vm5, $0x1, v3;
	v63 =	vor.u32 v19, v16;
	v25 =	vor.u32 v30, v29  }
0xad: {  	v19 =	vor.u32 v33, v34;
	v31 =	vand.u32 $0x7, v63;
	v16 =	vperm.xlane v4, v25  }
0xae: {  	v17 =	vshll.u32 v17, $0x1;
	v14 =	vor.u32 v19, v14;
	v21 =	vor.u32 v21, v31;
	v35 =	vld.idx.msk [tilespmem:v22+s19+$0x0], $0xffff  }
0xaf: {  	v19 =	vadd.s32 $0xFFFFFC00, v14;
	vm7 =	vlt.f32 v32, v10;
	vm6 =	vlt.f32 v16, v15;
	v16 =	vld [tilespmem:s11+$0xFFFFFFD0]  }
0xb0: {  	v26 =	vshll.u32 v25, $0x1;
	v39 =	vsel vm7, $0x1, v3;
	v27 =	vsel vm6, $0x1, v3  }
0xb1: {  	v18 =	vshll.u32 v60, $0x3;
	v17 =	vor.u32 v39, v17;
	v36 =	vor.u32 v27, v26  }
0xb2: {  	v23 =	vshll.u32 v63, $0x1;
	v25 =	vshll.u32 v25, $0x3;
	v38 =	vadd.s32 $0xFFFFFFF0, v36  }
0xb3: {  	v22 =	vshll.u32 v22, $0x1;
	v37 =	vld.idx.msk [tilespmem:v21+s21+$0x0], $0xffff;
	v21 =	vperm.xlane v6, v38;
	vm8 =	vlt.f32 v35, v11  }
0xb4: {  	v14 =	vshll.u32 v36, $0x1;
	v40 =	vld.idx.msk [tilespmem:v19+s25+$0x0], $0xffff;
	vm10 =	vlt.f32 v9, v16;
	v24 =	vsel vm8, $0x1, v3  }
0xb5: {  	vm9 =	vlt.f32 v21, v15;
	v42 =	vsel vm10, $0x3, v1;
	v48 =	vsel vm10, $0x6, v2  }
0xb6: {  	v46 =	vld.idx.msk [tilespmem:v17+s21+$0x0], $0xffff;
	v17 =	vshll.u32 v17, $0x1;
	v22 =	vor.u32 v24, v22;
	v41 =	vsel vm9, $0x1, v3  }
0xb7: {  	v44 =	vld.idx.msk [tilespmem:v19+s24+$0x0], $0xffff;
	v43 =	vperm.xlane v5, v42;
	v30 =	vand.u32 $0x7FFFFFF8, v17;
	v14 =	vor.u32 v41, v14  }
0xb8: {  	v17 =	vand.u32 $0x6, v17;
	vm11 =	vlt.f32 v37, v13;
	v47 =	vand.u32 $0x7, v14  }
0xb9: {  	vm12 =	vlt.f32 v43, v16;
	v21 =	vmul.f32 v40, v12;
	v14 =	vshll.u32 v14, $0x1  }
0xba: {  	v45 =	vsel vm11, $0x1, v3;
	v28 =	vsel vm12, $0x1, v3;
	v18 =	vor.u32 v18, v47  }
0xbb: {  	v37 =	vld.idx.msk [tilespmem:v19+s23+$0x0], $0xffff;
	v23 =	vor.u32 v45, v23;
	v49 =	vor.u32 v28, v48;
	vm13 =	vlt.f32 v46, v10  }
0xbc: {  	v21 =	vadd.f32 v21, v44;
	v50 =	vld.idx.msk [tilespmem:v22+s19+$0x0], $0xffff;
	v28 =	vperm.xlane v5, v49;
	v24 =	vsel vm13, $0x1, v3  }
0xbd: {  	v19 =	vld.idx.msk [tilespmem:v19+s22+$0x0], $0xffff;
	v52 =	vshll.u32 v49, $0x1;
	v22 =	vshll.u32 v22, $0x1;
	v24 =	vor.u32 v24, v17  }
0xbe: {  	v17 =	vld [tilespmem:s10+$0xFFFFFFE0];
	v21 =	vmul.f32 v21, v12;
	vm14 =	vlt.f32 v28, v16;
	v53 =	vor.u32 v24, v30  }
0xbf: {  	v27 =	vshll.u32 v49, $0x3;
	v29 =	vsel vm14, $0x1, v3;
	v18 =	vld.idx.msk [tilespmem:v18+s19+$0x0], $0xffff;
	v20 =	vadd.s32 $0xFFFFFC00, v53  }
0xc0: {  	v24 =	vadd.f32 v21, v37;
	v51 =	vld.idx.msk [tilespmem:v23+s21+$0x0], $0xffff;
	v28 =	vor.u32 v29, v52;
	v23 =	vshll.u32 v23, $0x1  }
0xc1: {  	v21 =	vld [tilespmem:s11+$0xFFFFFFE0];
	vm15 =	vlt.f32 v50, v11;
	v29 =	vperm.xlane v5, v28;
	v55 =	vshll.u32 v28, $0x1  }
0xc2: {  	v28 =	vshll.u32 v28, $0x3;
	v12 =	vmul.f32 v24, v12;
	v54 =	vsel vm15, $0x1, v3  }
0xc3: {  	vm7 =	vlt.f32 v8, v17;
	v22 =	vor.u32 v54, v22;
	vm4 =	vlt.f32 v29, v16  }
0xc4: {  	v59 =	vsel vm7, $0x3, v1;
	v31 =	vsel vm7, $0x6, v2;
	v19 =	vadd.f32 v12, v19  }
0xc5: {  	v29 =	vsel vm4, $0x1, v3;
	vm6 =	vlt.f32 v18, v15;
	v61 =	vperm.xlane v4, v59  }
0xc6: {  	v43 =	vshll.u32 v22, $0x1;
	vm4 =	vlt.f32 v9, v21;
	vm5 =	vlt.f32 v51, v13  }
0xc7: {  	v56 =	vor.u32 v29, v55;
	v57 =	vsel vm6, $0x1, v3;
	v45 =	vand.u32 $0x7FFFFFF8, v43  }
0xc8: {  	v58 =	vadd.s32 $0xFFFFFFF0, v56;
	v60 =	vsel vm5, $0x1, v3;
	vm9 =	vlt.f32 v61, v17  }
0xc9: {  	v14 =	vor.u32 v57, v14;
	v26 =	vperm.xlane v7, v58;
	v32 =	vsel vm9, $0x1, v3  }
0xca: {  	v63 =	vld.idx.msk [tilespmem:v20+s30+$0x0], $0xffff;
	v23 =	vor.u32 v60, v23;
	v62 =	vand.u32 $0x7, v14;
	v38 =	vor.u32 v32, v31  }
0xcb: {  	v46 =	vand.u32 $0x6, v43;
	v25 =	vor.u32 v25, v62;
	v32 =	vperm.xlane v4, v38  }
0xcc: {  	v33 =	vld.idx.msk [tilespmem:v20+s29+$0x0], $0xffff;
	v51 =	vsel vm4, $0x3, v1;
	v18 =	vshll.u32 v56, $0x1;
	vm8 =	vlt.f32 v26, v16  }
0xcd: {  	v14 =	vshll.u32 v14, $0x1;
	v39 =	vld.idx.msk [tilespmem:v22+s19+$0x0], $0xffff;
	v36 =	vsel vm8, $0x1, v3;
	vm10 =	vlt.f32 v32, v17  }
0xce: {  	v42 =	vshll.u32 v38, $0x1;
	v18 =	vor.u32 v36, v18;
	v34 =	vsel vm10, $0x1, v3  }
0xcf: {  	v26 =	vmul.f32 v63, v10;
	v40 =	vand.u32 $0x7, v18;
	v41 =	vld.idx.msk [tilespmem:v23+s21+$0x0], $0xffff;
	v32 =	vor.u32 v34, v42  }
0xd0: {  	v58 =	vsel vm4, $0x6, v2;
	v27 =	vor.u32 v27, v40;
	v25 =	vld.idx.msk [tilespmem:v25+s19+$0x0], $0xffff;
	v44 =	vperm.xlane v4, v32  }
0xd1: {  	v57 =	vshll.u32 v38, $0x3;
	v26 =	vadd.f32 v26, v33;
	v23 =	vshll.u32 v23, $0x1  }
0xd2: {  	v18 =	vshll.u32 v18, $0x1;
	vm11 =	vlt.f32 v39, v11;
	vm13 =	vlt.f32 v44, v17  }
0xd3: {  	v43 =	vld.idx.msk [tilespmem:v20+s28+$0x0], $0xffff;
	v63 =	vmul.f32 v26, v10;
	v48 =	vshll.u32 v32, $0x1;
	v35 =	vsel vm13, $0x1, v3  }
0xd4: {  	v30 =	vsel vm11, $0x1, v3;
	vm12 =	vlt.f32 v41, v13;
	v49 =	vor.u32 v35, v48  }
0xd5: {  	v27 =	vld.idx.msk [tilespmem:v27+s21+$0x0], $0xffff;
	v47 =	vsel vm12, $0x1, v3;
	vm14 =	vlt.f32 v25, v15;
	v31 =	vadd.s32 $0xFFFFFFF0, v49  }
0xd6: {  	v22 =	vor.u32 v47, v23;
	v25 =	vsel vm14, $0x1, v3;
	v50 =	vperm.xlane v6, v31  }
0xd7: {  	v30 =	vor.u32 v30, v46;
	v25 =	vor.u32 v25, v14;
	v14 =	vperm.xlane v5, v51  }
0xd8: {  	v20 =	vld.idx.msk [tilespmem:v20+s26+$0x0], $0xffff;
	v24 =	vadd.f32 v63, v43;
	v60 =	vor.u32 v30, v45;
	vm5 =	vlt.f32 v50, v17  }
0xd9: {  	v52 =	vshll.u32 v49, $0x1;
	vm6 =	vlt.f32 v14, v21;
	v53 =	vsel vm5, $0x1, v3  }
0xda: {  	v14 =	vadd.s32 $0xFFFFFC00, v60;
	vm15 =	vlt.f32 v27, v16;
	v23 =	vor.u32 v53, v52  }
0xdb: {  	v10 =	vmul.f32 v24, v10;
	v27 =	vsel vm15, $0x1, v3;
	v55 =	vld.idx.msk [tilespmem:v22+s21+$0x0], $0xffff;
	v56 =	vand.u32 $0x7, v23  }
0xdc: {  	v32 =	vshll.u32 v32, $0x3;
	v27 =	vor.u32 v27, v18;
	v31 =	vor.u32 v57, v56  }
0xdd: {  	v20 =	vadd.f32 v10, v20;
	v59 =	vsel vm6, $0x1, v3;
	v61 =	vld.idx.msk [tilespmem:v25+s19+$0x0], $0xffff;
	v54 =	vand.u32 $0x7, v27  }
0xde: {  	v29 =	vor.u32 v59, v58;
	v22 =	vshll.u32 v22, $0x1;
	v28 =	vor.u32 v28, v54  }
0xdf: {  	v62 =	vperm.xlane v5, v29;
	v37 =	vshll.u32 v29, $0x1;
	v38 =	vand.u32 $0x7FFFFFF8, v22;
	v47 =	vld.idx.msk [tilespmem:v14+s25+$0x0], $0xffff  }
0xe0: {  	v22 =	vand.u32 $0x6, v22;
	v25 =	vshll.u32 v25, $0x1;
	v49 =	vld.idx.msk [tilespmem:v14+s24+$0x0], $0xffff;
	vm7 =	vlt.f32 v55, v13  }
0xe1: {  	v23 =	vshll.u32 v23, $0x1;
	vm8 =	vlt.f32 v62, v21;
	v18 =	vsel vm7, $0x1, v3;
	v31 =	vld.idx.msk [tilespmem:v31+s19+$0x0], $0xffff  }
0xe2: {  	v33 =	vsel vm8, $0x1, v3;
	vm9 =	vlt.f32 v61, v15;
	v18 =	vor.u32 v18, v22;
	v22 =	vld [tilespmem:s10+$0xFFFFFFF0]  }
0xe3: {  	v29 =	vshll.u32 v29, $0x3;
	v30 =	vsel vm9, $0x1, v3;
	v36 =	vld.idx.msk [tilespmem:v28+s21+$0x0], $0xffff;
	v28 =	vor.u32 v33, v37  }
0xe4: {  	v18 =	vor.u32 v18, v38;
	v25 =	vor.u32 v30, v25;
	v39 =	vperm.xlane v5, v28  }
0xe5: {  	v27 =	vshll.u32 v27, $0x1;
	v54 =	vmul.f32 v47, v11;
	v18 =	vadd.s32 $0xFFFFFC00, v18  }
0xe6: {  	v40 =	vshll.u32 v28, $0x1;
	v28 =	vshll.u32 v28, $0x3;
	vm10 =	vlt.f32 v39, v21  }
0xe7: {  	v10 =	vadd.f32 v54, v49;
	v41 =	vsel vm10, $0x1, v3;
	vm12 =	vlt.f32 v31, v17  }
0xe8: {  	vm13 =	vlt.f32 v8, v22;
	vm11 =	vlt.f32 v36, v16;
	v42 =	vor.u32 v41, v40  }
0xe9: {  	v31 =	vsel vm12, $0x1, v3;
	v48 =	vsel vm13, $0x3, v1;
	v50 =	vld.idx.msk [tilespmem:v25+s19+$0x0], $0xffff;
	v33 =	vadd.s32 $0xFFFFFFF0, v42  }
0xea: {  	v44 =	vsel vm11, $0x1, v3;
	v23 =	vor.u32 v31, v23;
	v31 =	vperm.xlane v4, v48  }
0xeb: {  	v45 =	vperm.xlane v7, v33;
	v27 =	vor.u32 v44, v27;
	v46 =	vand.u32 $0x7, v23  }
0xec: {  	v52 =	vsel vm13, $0x6, v2;
	v25 =	vshll.u32 v25, $0x1;
	v32 =	vor.u32 v32, v46  }
0xed: {  	v26 =	vshll.u32 v42, $0x1;
	v56 =	vld.idx.msk [tilespmem:v18+s30+$0x0], $0xffff;
	vm15 =	vlt.f32 v31, v22;
	vm14 =	vlt.f32 v45, v21  }
0xee: {  	v62 =	vld.idx.msk [tilespmem:v14+s23+$0x0], $0xffff;
	v53 =	vsel vm15, $0x1, v3;
	v36 =	vsel vm14, $0x1, v3;
	vm4 =	vlt.f32 v50, v15  }
0xef: {  	v63 =	vld.idx.msk [tilespmem:v18+s29+$0x0], $0xffff;
	v31 =	vor.u32 v53, v52;
	v26 =	vor.u32 v36, v26;
	v30 =	vsel vm4, $0x1, v3  }
0xf0: {  	v33 =	vperm.xlane v4, v31;
	v51 =	vand.u32 $0x7, v26;
	v55 =	vld.idx.msk [tilespmem:v27+s21+$0x0], $0xffff;
	v25 =	vor.u32 v30, v25  }
0xf1: {  	v60 =	vmul.f32 v10, v11;
	v10 =	vshll.u32 v27, $0x1;
	v29 =	vor.u32 v29, v51;
	v57 =	vld.idx.msk [tilespmem:v32+s19+$0x0], $0xffff  }
0xf2: {  	v58 =	vshll.u32 v31, $0x1;
	v12 =	vmul.f32 v56, v13;
	vm5 =	vlt.f32 v33, v22  }
0xf3: {  	v31 =	vshll.u32 v31, $0x3;
	v26 =	vshll.u32 v26, $0x1;
	v59 =	vsel vm5, $0x1, v3  }
0xf4: {  	v33 =	vadd.f32 v60, v62;
	v12 =	vadd.f32 v12, v63;
	v30 =	vor.u32 v59, v58  }
0xf5: {  	v32 =	vperm.xlane v4, v30;
	v42 =	vshll.u32 v30, $0x1;
	vm6 =	vlt.f32 v55, v16;
	v41 =	vld.idx.msk [tilespmem:v25+s19+$0x0], $0xffff  }
0xf6: {  	v30 =	vshll.u32 v30, $0x3;
	v29 =	vld.idx.msk [tilespmem:v29+s21+$0x0], $0xffff;
	v61 =	vsel vm6, $0x1, v3;
	vm7 =	vlt.f32 v57, v17  }
0xf7: {  	v27 =	vor.u32 v61, v10;
	v10 =	vshll.u32 v23, $0x1;
	v40 =	vsel vm7, $0x1, v3  }
0xf8: {  	v25 =	vshll.u32 v25, $0x1;
	vm8 =	vlt.f32 v32, v22;
	v45 =	vor.u32 v40, v10;
	v10 =	vld [tilespmem:s11+$0xFFFFFFF0]  }
0xf9: {  	v51 =	vand.u32 $0x7FFFFFF8, v25;
	v25 =	vand.u32 $0x6, v25;
	v43 =	vsel vm8, $0x1, v3  }
0xfa: {  	v56 =	vshll.u32 v27, $0x1;
	v34 =	vshll.u32 v45, $0x1;
	vm10 =	vlt.f32 v41, v15  }
0xfb: {  	vm9 =	vlt.f32 v29, v21;
	v29 =	vor.u32 v43, v42;
	v48 =	vsel vm10, $0x1, v3  }
0xfc: {  	v44 =	vsel vm9, $0x1, v3;
	v46 =	vadd.s32 $0xFFFFFFF0, v29;
	v29 =	vshll.u32 v29, $0x1  }
0xfd: {  	v49 =	vld.idx.msk [tilespmem:v27+s21+$0x0], $0xffff;
	v25 =	vor.u32 v48, v25;
	v26 =	vor.u32 v44, v26;
	vm12 =	vlt.f32 v9, v10  }
0xfe: {  	v23 =	vperm.xlane v6, v46;
	v36 =	vand.u32 $0x7, v26;
	v54 =	vsel vm12, $0x3, v1  }
0xff: {  	v52 =	vld.idx.msk [tilespmem:v45+s19+$0x0], $0xffff;
	v58 =	vsel vm12, $0x6, v2;
	v26 =	vshll.u32 v26, $0x1;
	v47 =	vor.u32 v28, v36  }
0x100: {  	vm11 =	vlt.f32 v23, v22;
	v23 =	vmul.f32 v33, v11;
	v11 =	vor.u32 v25, v51  }
0x101: {  	v55 =	vperm.xlane v5, v54;
	v33 =	vmul.f32 v12, v13;
	v50 =	vsel vm11, $0x1, v3  }
0x102: {  	v12 =	vld [tilespmem:s11+$0x0];
	v24 =	vadd.s32 $0xFFFFFC00, v11;
	v29 =	vor.u32 v50, v29;
	vm13 =	vlt.f32 v49, v16  }
0x103: {  	v11 =	vld [tilespmem:s10+$0x0];
	vm14 =	vlt.f32 v55, v10;
	v53 =	vand.u32 $0x7, v29;
	v57 =	vsel vm13, $0x1, v3  }
0x104: {  	v59 =	vsel vm14, $0x1, v3;
	vm15 =	vlt.f32 v52, v17;
	v29 =	vshll.u32 v29, $0x1  }
0x105: {  	v31 =	vor.u32 v31, v53;
	v25 =	vor.u32 v57, v56;
	v27 =	vor.u32 v59, v58  }
0x106: {  	v35 =	vsel vm15, $0x1, v3;
	v37 =	vld.idx.msk [tilespmem:v47+s21+$0x0], $0xffff;
	v62 =	vperm.xlane v5, v27;
	v63 =	vshll.u32 v27, $0x1  }
0x107: {  	vm8 =	vlt.f32 v9, v12;
	v27 =	vshll.u32 v27, $0x3;
	v34 =	vor.u32 v35, v34  }
0x108: {  	vm6 =	vlt.f32 v8, v11;
	v45 =	vsel vm8, $0x3, v1;
	vm5 =	vlt.f32 v62, v10  }
0x109: {  	v39 =	vsel vm8, $0x6, v2;
	v40 =	vsel vm6, $0x3, v1;
	v32 =	vsel vm5, $0x1, v3  }
0x10a: {  	v44 =	vsel vm6, $0x6, v2;
	v41 =	vperm.xlane v4, v40;
	v60 =	vld.idx.msk [tilespmem:v31+s19+$0x0], $0xffff;
	v28 =	vor.u32 v32, v63  }
0x10b: {  	v31 =	vperm.xlane v5, v45;
	v62 =	vld.idx.msk [tilespmem:v25+s21+$0x0], $0xffff;
	v25 =	vshll.u32 v25, $0x1;
	vm4 =	vlt.f32 v37, v21  }
0x10c: {  	v43 =	vperm.xlane v5, v28;
	vm9 =	vlt.f32 v41, v11;
	v47 =	vshll.u32 v28, $0x1  }
0x10d: {  	v61 =	vsel vm4, $0x1, v3;
	v46 =	vsel vm9, $0x1, v3;
	vm11 =	vlt.f32 v31, v12  }
0x10e: {  	v26 =	vor.u32 v61, v26;
	vm10 =	vlt.f32 v43, v10;
	v32 =	vor.u32 v46, v44  }
0x10f: {  	v40 =	vsel vm11, $0x1, v3;
	v36 =	vsel vm10, $0x1, v3;
	v37 =	vperm.xlane v4, v32  }
0x110: {  	v48 =	vshll.u32 v32, $0x1;
	v32 =	vshll.u32 v32, $0x3;
	vm7 =	vlt.f32 v60, v22  }
0x111: {  	v44 =	vld.idx.msk [tilespmem:v18+s28+$0x0], $0xffff;
	v31 =	vor.u32 v36, v47;
	v36 =	vor.u32 v40, v39;
	v42 =	vsel vm7, $0x1, v3  }
0x112: {  	vm12 =	vlt.f32 v37, v11;
	v40 =	vperm.xlane v5, v36;
	v41 =	vadd.s32 $0xFFFFFFF0, v31  }
0x113: {  	v52 =	vshll.u32 v36, $0x1;
	v31 =	vshll.u32 v31, $0x1;
	vm7 =	vlt.f32 v62, v16  }
0x114: {  	v36 =	vshll.u32 v36, $0x3;
	v29 =	vor.u32 v42, v29;
	v49 =	vsel vm12, $0x1, v3  }
0x115: {  	v50 =	vperm.xlane v7, v41;
	v38 =	vand.u32 $0x7, v29;
	v37 =	vor.u32 v49, v48  }
0x116: {  	vm13 =	vlt.f32 v40, v12;
	v48 =	vld.idx.msk [tilespmem:v26+s21+$0x0], $0xffff;
	v33 =	vadd.f32 v33, v44;
	v26 =	vshll.u32 v26, $0x1  }
0x117: {  	v29 =	vshll.u32 v29, $0x1;
	v51 =	vperm.xlane v4, v37;
	v30 =	vor.u32 v30, v38  }
0x118: {  	v40 =	vsel vm13, $0x1, v3;
	vm14 =	vlt.f32 v50, v10;
	v53 =	vshll.u32 v37, $0x1  }
0x119: {  	v38 =	vor.u32 v40, v52;
	v42 =	vsel vm14, $0x1, v3;
	v52 =	vand.u32 $0x7FFFFFF8, v25  }
0x11a: {  	v25 =	vand.u32 $0x6, v25;
	vm15 =	vlt.f32 v51, v11;
	v55 =	vperm.xlane v5, v38  }
0x11b: {  	v31 =	vor.u32 v42, v31;
	v59 =	vshll.u32 v38, $0x1;
	v51 =	vsel vm7, $0x1, v3  }
0x11c: {  	v54 =	vsel vm15, $0x1, v3;
	v45 =	vand.u32 $0x7, v31;
	v25 =	vor.u32 v51, v25  }
0x11d: {  	v39 =	vor.u32 v54, v53;
	vm4 =	vlt.f32 v55, v12;
	v27 =	vor.u32 v27, v45;
	v53 =	vld.idx.msk [tilespmem:v34+s19+$0x0], $0xffff  }
0x11e: {  	vm8 =	vlt.f32 v48, v21;
	v57 =	vadd.s32 $0xFFFFFFF0, v39;
	v43 =	vsel vm4, $0x1, v3  }
0x11f: {  	v25 =	vor.u32 v25, v52;
	v58 =	vperm.xlane v6, v57;
	v42 =	vor.u32 v43, v59  }
0x120: {  	v34 =	vshll.u32 v34, $0x1;
	v39 =	vshll.u32 v39, $0x1;
	v61 =	vadd.s32 $0xFFFFFFF0, v42  }
0x121: {  	v30 =	vld.idx.msk [tilespmem:v30+s19+$0x0], $0xffff;
	v25 =	vadd.s32 $0xFFFFFC00, v25;
	vm5 =	vlt.f32 v58, v11;
	v41 =	vperm.xlane v7, v61  }
0x122: {  	v49 =	vshll.u32 v42, $0x1;
	v46 =	vsel vm5, $0x1, v3;
	v27 =	vld.idx.msk [tilespmem:v27+s21+$0x0], $0xffff;
	vm11 =	vlt.f32 v53, v17  }
0x123: {  	v56 =	vld.idx.msk [tilespmem:v24+s25+$0x0], $0xffff;
	v63 =	vor.u32 v46, v39;
	vm6 =	vlt.f32 v41, v12;
	v39 =	vsel vm8, $0x1, v3  }
0x124: {  	v18 =	vld.idx.msk [tilespmem:v18+s26+$0x0], $0xffff;
	v46 =	vand.u32 $0x7, v63;
	v50 =	vsel vm6, $0x1, v3;
	v26 =	vor.u32 v39, v26  }
0x125: {  	v60 =	vld.idx.msk [tilespmem:v24+s24+$0x0], $0xffff;
	v62 =	vsel vm11, $0x1, v3;
	v32 =	vor.u32 v32, v46;
	v41 =	vor.u32 v50, v49  }
0x126: {  	v57 =	vld.idx.msk [tilespmem:v14+s22+$0x0], $0xffff;
	vm9 =	vlt.f32 v30, v22;
	v34 =	vor.u32 v62, v34;
	v42 =	vand.u32 $0x7, v41  }
0x127: {  	v59 =	vld.idx.msk [tilespmem:v24+s23+$0x0], $0xffff;
	v30 =	vsel vm9, $0x1, v3;
	v36 =	vor.u32 v36, v42;
	vm10 =	vlt.f32 v27, v10  }
0x128: {  	v54 =	vshll.u32 v31, $0x1;
	v53 =	vld.idx.msk [tilespmem:v25+s30+$0x0], $0xffff;
	v27 =	vor.u32 v30, v29;
	v55 =	vsel vm10, $0x1, v3  }
0x129: {  	v40 =	vmul.f32 v56, v15;
	v29 =	vor.u32 v55, v54;
	v39 =	vld.idx.msk [tilespmem:v26+s21+$0x0], $0xffff  }
0x12a: {  	v28 =	vshll.u32 v28, $0x3;
	v13 =	vmul.f32 v33, v13;
	v32 =	vld.idx.msk [tilespmem:v32+s19+$0x0], $0xffff;
	v58 =	vand.u32 $0x7, v29  }
0x12b: {  	v40 =	vadd.f32 v40, v60;
	v14 =	vor.u32 v28, v58;
	v58 =	vld.idx.msk [tilespmem:v34+s19+$0x0], $0xffff  }
0x12c: {  	v37 =	vshll.u32 v37, $0x3;
	v13 =	vadd.f32 v13, v18;
	v57 =	vadd.f32 v23, v57;
	v56 =	vld.idx.msk [tilespmem:v36+s21+$0x0], $0xffff  }
0x12d: {  	v52 =	vshll.u32 v38, $0x3;
	v40 =	vmul.f32 v40, v15;
	v60 =	vshll.u32 v63, $0x1;
	v63 =	vld.idx.msk [tilespmem:v27+s19+$0x0], $0xffff  }
0x12e: {  	v47 =	vshll.u32 v41, $0x1;
	v13 =	vmul.f32 v13, v57;
	v55 =	vshll.u32 v26, $0x1  }
0x12f: {  	v24 =	vld.idx.msk [tilespmem:v24+s22+$0x0], $0xffff;
	v27 =	vshll.u32 v27, $0x1;
	vm14 =	vlt.f32 v39, v21;
	vm12 =	vlt.f32 v32, v11  }
0x130: {  	v54 =	vld.idx.msk [tilespmem:v25+s29+$0x0], $0xffff;
	v32 =	vadd.f32 v40, v59;
	v59 =	vmul.f32 v53, v16;
	v61 =	vsel vm12, $0x1, v3  }
0x131: {  	v50 =	vld.idx.msk [tilespmem:v14+s21+$0x0], $0xffff;
	v14 =	vmul.f32 v20, v19;
	vm6 =	vlt.f32 v58, v17;
	v28 =	vor.u32 v61, v60  }
0x132: {  	vm13 =	vlt.f32 v56, v12;
	v56 =	vsel vm14, $0x1, v3;
	vm15 =	vlt.f32 v63, v22  }
0x133: {  	v15 =	vmul.f32 v32, v15;
	v45 =	vand.u32 $0x7, v28;
	v26 =	vor.u32 v56, v55  }
0x134: {  	v48 =	vsel vm13, $0x1, v3;
	v35 =	vsel vm15, $0x1, v3;
	v46 =	vor.u32 v37, v45  }
0x135: {  	v49 =	vor.u32 v48, v47;
	v27 =	vor.u32 v35, v27;
	v19 =	vadd.f32 v15, v24;
	v15 =	vld [tilespmem:s10+$0x10]  }
0x136: {  	v60 =	vshll.u32 v29, $0x1;
	v18 =	vadd.f32 v59, v54;
	v51 =	vand.u32 $0x7, v49  }
0x137: {  	v42 =	vsel vm6, $0x1, v3;
	v40 =	vshll.u32 v28, $0x1;
	v37 =	vor.u32 v52, v51;
	v52 =	vld.idx.msk [tilespmem:v25+s28+$0x0], $0xffff  }
0x138: {  	v18 =	vmul.f32 v18, v16;
	v45 =	vshll.u32 v49, $0x1;
	vm4 =	vlt.f32 v50, v10;
	v38 =	vld.idx.msk [tilespmem:v26+s21+$0x0], $0xffff  }
0x139: {  	v47 =	vshll.u32 v27, $0x1;
	v61 =	vsel vm4, $0x1, v3;
	v26 =	vshll.u32 v26, $0x1;
	v31 =	vld.idx.msk [tilespmem:v46+s19+$0x0], $0xffff  }
0x13a: {  	v63 =	vor.u32 v61, v60;
	v39 =	vld.idx.msk [tilespmem:v27+s19+$0x0], $0xffff;
	vm10 =	vlt.f32 v8, v15;
	v53 =	vand.u32 $0x7FFFFFF8, v26  }
0x13b: {  	v26 =	vand.u32 $0x6, v26;
	v24 =	vshll.u32 v63, $0x1;
	v51 =	vsel vm10, $0x3, v1  }
0x13c: {  	v55 =	vsel vm10, $0x6, v2;
	v62 =	vld.idx.msk [tilespmem:v37+s21+$0x0], $0xffff;
	v37 =	vshll.u32 v34, $0x1;
	v27 =	vperm.xlane v4, v51  }
0x13d: {  	v18 =	vadd.f32 v18, v52;
	v43 =	vand.u32 $0x6, v37;
	v23 =	vand.u32 $0x7FFFFFF8, v37  }
0x13e: {  	vm8 =	vlt.f32 v38, v21;
	vm12 =	vlt.f32 v27, v15;
	vm5 =	vlt.f32 v31, v11  }
0x13f: {  	v44 =	vld.idx.msk [tilespmem:v63+s21+$0x0], $0xffff;
	v16 =	vmul.f32 v18, v16;
	vm9 =	vlt.f32 v39, v22;
	v41 =	vsel vm5, $0x1, v3  }
0x140: {  	v31 =	vor.u32 v42, v43;
	v48 =	vsel vm9, $0x1, v3;
	v28 =	vor.u32 v41, v40  }
0x141: {  	v56 =	vsel vm12, $0x1, v3;
	v23 =	vor.u32 v31, v23;
	v20 =	vor.u32 v48, v47  }
0x142: {  	v51 =	vld.idx.msk [tilespmem:v25+s26+$0x0], $0xffff;
	v29 =	vor.u32 v56, v55;
	vm7 =	vlt.f32 v62, v12;
	v23 =	vadd.s32 $0xFFFFFC00, v23  }
0x143: {  	v50 =	vsel vm8, $0x1, v3;
	v60 =	vperm.xlane v4, v29;
	v46 =	vsel vm7, $0x1, v3  }
0x144: {  	v26 =	vor.u32 v50, v26;
	v31 =	vor.u32 v46, v45;
	vm11 =	vlt.f32 v44, v10  }
0x145: {  	v26 =	vor.u32 v26, v53;
	vm15 =	vlt.f32 v60, v15;
	v30 =	vsel vm11, $0x1, v3;
	v49 =	vld.idx.msk [tilespmem:v28+s19+$0x0], $0xffff  }
0x146: {  	v39 =	vshll.u32 v29, $0x1;
	v40 =	vsel vm15, $0x1, v3;
	v24 =	vor.u32 v30, v24;
	v57 =	vld.idx.msk [tilespmem:v20+s19+$0x0], $0xffff  }
0x147: {  	v16 =	vadd.f32 v16, v51;
	v26 =	vadd.s32 $0xFFFFFC00, v26;
	v30 =	vor.u32 v40, v39;
	v61 =	vld.idx.msk [tilespmem:v23+s25+$0x0], $0xffff  }
0x148: {  	v29 =	vshll.u32 v29, $0x3;
	v20 =	vshll.u32 v20, $0x1;
	v44 =	vperm.xlane v4, v30  }
0x149: {  	v16 =	vmul.f32 v16, v19;
	v28 =	vshll.u32 v28, $0x1;
	v42 =	vand.u32 $0x6, v20;
	v54 =	vld.idx.msk [tilespmem:v31+s21+$0x0], $0xffff  }
0x14a: {  	v53 =	vld.idx.msk [tilespmem:v23+s24+$0x0], $0xffff;
	v45 =	vand.u32 $0x7FFFFFF8, v20;
	v31 =	vshll.u32 v31, $0x1;
	vm5 =	vlt.f32 v44, v15  }
0x14b: {  	v50 =	vsel vm5, $0x1, v3;
	v63 =	vld.idx.msk [tilespmem:v24+s21+$0x0], $0xffff;
	v24 =	vshll.u32 v24, $0x1;
	vm13 =	vlt.f32 v49, v11  }
0x14c: {  	v47 =	vld.idx.msk [tilespmem:v26+s30+$0x0], $0xffff;
	vm4 =	vlt.f32 v57, v22;
	v32 =	vmul.f32 v61, v17;
	v58 =	vsel vm13, $0x1, v3  }
0x14d: {  	v49 =	vshll.u32 v30, $0x1;
	v41 =	vsel vm4, $0x1, v3;
	v59 =	vor.u32 v58, v28  }
0x14e: {  	v30 =	vshll.u32 v30, $0x3;
	vm14 =	vlt.f32 v54, v12;
	v46 =	vor.u32 v41, v42  }
0x14f: {  	v60 =	vld.idx.msk [tilespmem:v23+s23+$0x0], $0xffff;
	v32 =	vadd.f32 v32, v53;
	v62 =	vsel vm14, $0x1, v3;
	v18 =	vor.u32 v46, v45  }
0x150: {  	v31 =	vor.u32 v62, v31;
	vm6 =	vlt.f32 v63, v10;
	v27 =	vadd.s32 $0xFFFFFC00, v18;
	v18 =	vld [tilespmem:s11+$0x10]  }
0x151: {  	v33 =	vmul.f32 v47, v21;
	v28 =	vor.u32 v50, v49;
	v52 =	vsel vm6, $0x1, v3  }
0x152: {  	v55 =	vadd.s32 $0xFFFFFFF0, v28;
	v32 =	vmul.f32 v32, v17;
	v54 =	vor.u32 v52, v24;
	v43 =	vld.idx.msk [tilespmem:v59+s19+$0x0], $0xffff  }
0x153: {  	v56 =	vld.idx.msk [tilespmem:v26+s29+$0x0], $0xffff;
	v57 =	vshll.u32 v59, $0x1;
	v28 =	vshll.u32 v28, $0x1;
	v59 =	vperm.xlane v6, v55  }
0x154: {  	v20 =	vld [tilespmem:s11+$0x20];
	v61 =	vshll.u32 v31, $0x1;
	v32 =	vadd.f32 v32, v60;
	v51 =	vshll.u32 v54, $0x1  }
0x155: {  	v52 =	vand.u32 $0x6, v51;
	v48 =	vld.idx.msk [tilespmem:v31+s21+$0x0], $0xffff;
	vm9 =	vlt.f32 v59, v15;
	vm10 =	vlt.f32 v9, v18  }
0x156: {  	v17 =	vmul.f32 v32, v17;
	v45 =	vld.idx.msk [tilespmem:v27+s25+$0x0], $0xffff;
	v39 =	vsel vm9, $0x1, v3;
	v46 =	vsel vm10, $0x3, v1  }
0x157: {  	v53 =	vsel vm10, $0x6, v2;
	v41 =	vld.idx.msk [tilespmem:v54+s21+$0x0], $0xffff;
	v42 =	vor.u32 v39, v28;
	vm7 =	vlt.f32 v43, v11  }
0x158: {  	v62 =	vld.idx.msk [tilespmem:v26+s28+$0x0], $0xffff;
	v43 =	vadd.f32 v33, v56;
	v44 =	vand.u32 $0x7, v42;
	v58 =	vsel vm7, $0x1, v3  }
0x159: {  	v31 =	vshll.u32 v42, $0x1;
	v29 =	vor.u32 v29, v44;
	v24 =	vor.u32 v58, v57  }
0x15a: {  	v23 =	vld.idx.msk [tilespmem:v23+s22+$0x0], $0xffff;
	vm8 =	vlt.f32 v48, v12;
	v28 =	vmul.f32 v43, v21;
	v48 =	vperm.xlane v5, v46  }
0x15b: {  	v33 =	vmul.f32 v45, v22;
	v57 =	vld.idx.msk [tilespmem:v27+s24+$0x0], $0xffff;
	v63 =	vsel vm8, $0x1, v3;
	vm8 =	vlt.f32 v9, v20  }
0x15c: {  	v26 =	vld.idx.msk [tilespmem:v26+s26+$0x0], $0xffff;
	v25 =	vor.u32 v63, v61;
	vm11 =	vlt.f32 v41, v10;
	vm12 =	vlt.f32 v48, v18  }
0x15d: {  	v49 =	vadd.f32 v28, v62;
	v63 =	vld.idx.msk [tilespmem:v27+s23+$0x0], $0xffff;
	v34 =	vsel vm11, $0x1, v3;
	v54 =	vsel vm12, $0x1, v3  }
0x15e: {  	v28 =	vand.u32 $0x7FFFFFF8, v51;
	v29 =	vld.idx.msk [tilespmem:v29+s19+$0x0], $0xffff;
	v19 =	vor.u32 v34, v52;
	v34 =	vor.u32 v54, v53  }
0x15f: {  	v62 =	vmul.f32 v49, v21;
	v21 =	vadd.f32 v17, v23;
	v54 =	vsel vm8, $0x6, v2;
	v47 =	vld.idx.msk [tilespmem:v24+s19+$0x0], $0xffff  }
0x160: {  	v28 =	vor.u32 v19, v28;
	v37 =	vperm.xlane v5, v34;
	v19 =	vld [tilespmem:s10+$0x20];
	v44 =	vadd.f32 v33, v57  }
0x161: {  	v55 =	vshll.u32 v34, $0x1;
	v24 =	vshll.u32 v24, $0x1;
	v28 =	vadd.s32 $0xFFFFFC00, v28  }
0x162: {  	v23 =	vadd.f32 v62, v26;
	vm15 =	vlt.f32 v37, v18;
	v49 =	vmul.f32 v44, v22  }
0x163: {  	v50 =	vld.idx.msk [tilespmem:v25+s21+$0x0], $0xffff;
	v25 =	vshll.u32 v25, $0x1;
	v56 =	vsel vm15, $0x1, v3;
	vm4 =	vlt.f32 v29, v15  }
0x164: {  	v40 =	vor.u32 v56, v55;
	v52 =	vadd.f32 v49, v63;
	vm13 =	vlt.f32 v47, v11  }
0x165: {  	v58 =	vsel vm4, $0x1, v3;
	v29 =	vperm.xlane v5, v40;
	vm5 =	vlt.f32 v8, v19  }
0x166: {  	v47 =	vshll.u32 v40, $0x1;
	v40 =	vshll.u32 v40, $0x3;
	v36 =	vsel vm13, $0x1, v3  }
0x167: {  	v39 =	vor.u32 v58, v31;
	v59 =	vsel vm5, $0x3, v1;
	v46 =	vsel vm5, $0x6, v2  }
0x168: {  	v26 =	vmul.f32 v52, v22;
	vm14 =	vlt.f32 v50, v12;
	v31 =	vand.u32 $0x7, v39  }
0x169: {  	v45 =	vld.idx.msk [tilespmem:v28+s30+$0x0], $0xffff;
	vm6 =	vlt.f32 v29, v18;
	v60 =	vperm.xlane v4, v59;
	v50 =	vsel vm8, $0x3, v1  }
0x16a: {  	v38 =	vsel vm14, $0x1, v3;
	v30 =	vor.u32 v30, v31;
	v61 =	vsel vm6, $0x1, v3  }
0x16b: {  	v31 =	vperm.xlane v5, v50;
	vm7 =	vlt.f32 v60, v19;
	v29 =	vor.u32 v61, v47  }
0x16c: {  	v60 =	vshll.u32 v34, $0x3;
	v48 =	vsel vm7, $0x1, v3;
	v51 =	vadd.s32 $0xFFFFFFF0, v29  }
0x16d: {  	vm9 =	vlt.f32 v31, v20;
	v29 =	vshll.u32 v29, $0x1;
	v17 =	vperm.xlane v7, v51  }
0x16e: {  	v53 =	vmul.f32 v45, v10;
	v31 =	vsel vm9, $0x1, v3;
	v37 =	vor.u32 v48, v46  }
0x16f: {  	v56 =	vperm.xlane v4, v37;
	v35 =	vor.u32 v31, v54;
	v62 =	vshll.u32 v37, $0x1  }
0x170: {  	v58 =	vld.idx.msk [tilespmem:v28+s29+$0x0], $0xffff;
	v37 =	vshll.u32 v37, $0x3;
	vm10 =	vlt.f32 v17, v18;
	v57 =	vperm.xlane v5, v35  }
0x171: {  	v30 =	vld.idx.msk [tilespmem:v30+s19+$0x0], $0xffff;
	v49 =	vshll.u32 v35, $0x1;
	v35 =	vshll.u32 v35, $0x3;
	v55 =	vsel vm10, $0x1, v3  }
0x172: {  	v17 =	vld [tilespmem:s10+$0x30];
	vm12 =	vlt.f32 v56, v19;
	v41 =	vor.u32 v55, v29;
	vm13 =	vlt.f32 v57, v20  }
0x173: {  	v59 =	vsel vm12, $0x1, v3;
	v29 =	vand.u32 $0x7, v41;
	v61 =	vsel vm13, $0x1, v3  }
0x174: {  	v34 =	vor.u32 v59, v62;
	v62 =	vand.u32 $0x7FFFFFF8, v24;
	v41 =	vshll.u32 v41, $0x1  }
0x175: {  	v29 =	vor.u32 v60, v29;
	v48 =	vperm.xlane v4, v34;
	v31 =	vor.u32 v61, v49  }
0x176: {  	v52 =	vshll.u32 v34, $0x1;
	v34 =	vshll.u32 v34, $0x3;
	vm11 =	vlt.f32 v30, v15  }
0x177: {  	vm14 =	vlt.f32 v8, v17;
	v30 =	vadd.f32 v53, v58;
	v51 =	vperm.xlane v5, v31  }
0x178: {  	v55 =	vshll.u32 v31, $0x1;
	v31 =	vshll.u32 v31, $0x3;
	v43 =	vsel vm11, $0x1, v3  }
0x179: {  	v63 =	vsel vm14, $0x3, v1;
	v50 =	vsel vm14, $0x6, v2;
	vm4 =	vlt.f32 v48, v19  }
0x17a: {  	v47 =	vperm.xlane v4, v63;
	v53 =	vsel vm4, $0x1, v3;
	vm5 =	vlt.f32 v51, v20  }
0x17b: {  	v63 =	vand.u32 $0x6, v24;
	v42 =	vor.u32 v53, v52;
	v56 =	vsel vm5, $0x1, v3  }
0x17c: {  	v24 =	vld [tilespmem:s10+$0x40];
	v52 =	vand.u32 $0x6, v25;
	v25 =	vand.u32 $0x7FFFFFF8, v25;
	vm15 =	vlt.f32 v47, v17  }
0x17d: {  	v54 =	vadd.s32 $0xFFFFFFF0, v42;
	v44 =	vor.u32 v56, v55;
	v42 =	vshll.u32 v42, $0x1  }
0x17e: {  	v29 =	vld.idx.msk [tilespmem:v29+s21+$0x0], $0xffff;
	v22 =	vsel vm15, $0x1, v3;
	v57 =	vperm.xlane v6, v54;
	v58 =	vadd.s32 $0xFFFFFFF0, v44  }
0x17f: {  	v54 =	vshll.u32 v39, $0x1;
	v44 =	vshll.u32 v44, $0x1;
	v45 =	vor.u32 v22, v50  }
0x180: {  	v60 =	vperm.xlane v7, v58;
	v22 =	vperm.xlane v4, v45;
	v59 =	vshll.u32 v45, $0x1  }
0x181: {  	vm8 =	vlt.f32 v57, v19;
	vm13 =	vlt.f32 v8, v24;
	v45 =	vshll.u32 v45, $0x3  }
0x182: {  	v46 =	vsel vm8, $0x1, v3;
	vm9 =	vlt.f32 v60, v20;
	v56 =	vsel vm13, $0x3, v1  }
0x183: {  	v50 =	vsel vm13, $0x6, v2;
	vm6 =	vlt.f32 v22, v17;
	vm7 =	vlt.f32 v29, v18  }
0x184: {  	v22 =	vld [tilespmem:s11+$0x30];
	v48 =	vsel vm9, $0x1, v3;
	v42 =	vor.u32 v46, v42;
	v47 =	vsel vm6, $0x1, v3  }
0x185: {  	v61 =	vsel vm7, $0x1, v3;
	v46 =	vand.u32 $0x7, v42;
	v44 =	vor.u32 v48, v44  }
0x186: {  	v42 =	vshll.u32 v42, $0x1;
	v32 =	vor.u32 v47, v59;
	v41 =	vor.u32 v61, v41  }
0x187: {  	v37 =	vor.u32 v37, v46;
	v33 =	vperm.xlane v4, v32;
	v47 =	vand.u32 $0x7, v41  }
0x188: {  	v58 =	vshll.u32 v32, $0x1;
	v41 =	vshll.u32 v41, $0x1;
	v40 =	vor.u32 v40, v47  }
0x189: {  	vm10 =	vlt.f32 v33, v17;
	vm11 =	vlt.f32 v9, v22;
	v33 =	vor.u32 v36, v63  }
0x18a: {  	v51 =	vsel vm11, $0x3, v1;
	v29 =	vor.u32 v33, v62;
	v33 =	vor.u32 v38, v52  }
0x18b: {  	v49 =	vsel vm10, $0x1, v3;
	v36 =	vperm.xlane v5, v51;
	v33 =	vor.u32 v33, v25;
	v25 =	vld [tilespmem:s11+$0x40]  }
0x18c: {  	v32 =	vshll.u32 v32, $0x3;
	v53 =	vsel vm11, $0x6, v2;
	v46 =	vor.u32 v49, v58;
	v37 =	vld.idx.msk [tilespmem:v37+s19+$0x0], $0xffff  }
0x18d: {  	vm12 =	vlt.f32 v36, v22;
	v36 =	vor.u32 v43, v54;
	v43 =	vperm.xlane v4, v56  }
0x18e: {  	v29 =	vadd.s32 $0xFFFFFC00, v29;
	v62 =	vadd.s32 $0xFFFFFFF0, v46;
	v46 =	vshll.u32 v46, $0x1  }
0x18f: {  	v33 =	vadd.s32 $0xFFFFFC00, v33;
	v55 =	vsel vm12, $0x1, v3;
	vm14 =	vlt.f32 v43, v24  }
0x190: {  	v40 =	vld.idx.msk [tilespmem:v40+s21+$0x0], $0xffff;
	v38 =	vor.u32 v55, v53;
	v43 =	vsel vm14, $0x1, v3;
	vm15 =	vlt.f32 v9, v25  }
0x191: {  	v60 =	vperm.xlane v5, v38;
	v61 =	vshll.u32 v38, $0x1;
	vm13 =	vlt.f32 v37, v19  }
0x192: {  	v38 =	vshll.u32 v38, $0x3;
	v57 =	vsel vm15, $0x3, v1;
	v51 =	vsel vm15, $0x6, v2  }
0x193: {  	v43 =	vor.u32 v43, v50;
	v59 =	vperm.xlane v5, v57;
	vm5 =	vlt.f32 v60, v22  }
0x194: {  	v50 =	vperm.xlane v4, v43;
	v56 =	vshll.u32 v43, $0x1;
	v54 =	vld.idx.msk [tilespmem:v36+s19+$0x0], $0xffff;
	v36 =	vshll.u32 v36, $0x1  }
0x195: {  	v43 =	vshll.u32 v43, $0x3;
	v47 =	vsel vm5, $0x1, v3;
	vm5 =	vlt.f32 v40, v18  }
0x196: {  	vm4 =	vlt.f32 v59, v25;
	v47 =	vor.u32 v47, v61;
	vm6 =	vlt.f32 v50, v24  }
0x197: {  	v39 =	vsel vm4, $0x1, v3;
	v52 =	vperm.xlane v5, v47;
	v53 =	vsel vm6, $0x1, v3  }
0x198: {  	v39 =	vor.u32 v39, v51;
	v51 =	vperm.xlane v6, v62;
	v49 =	vor.u32 v53, v56  }
0x199: {  	v63 =	vperm.xlane v5, v39;
	v57 =	vshll.u32 v39, $0x1;
	v59 =	vperm.xlane v4, v49  }
0x19a: {  	vm9 =	vlt.f32 v52, v22;
	vm12 =	vlt.f32 v54, v15;
	v39 =	vshll.u32 v39, $0x3  }
0x19b: {  	vm8 =	vlt.f32 v51, v17;
	v62 =	vsel vm9, $0x1, v3;
	vm7 =	vlt.f32 v63, v25  }
0x19c: {  	v60 =	vsel vm8, $0x1, v3;
	vm10 =	vlt.f32 v59, v24;
	v63 =	vand.u32 $0x7, v44  }
0x19d: {  	v59 =	vshll.u32 v49, $0x1;
	v44 =	vshll.u32 v44, $0x1;
	v58 =	vsel vm7, $0x1, v3  }
0x19e: {  	v55 =	vsel vm10, $0x1, v3;
	v35 =	vor.u32 v35, v63;
	v46 =	vor.u32 v60, v46  }
0x19f: {  	v63 =	vsel vm13, $0x1, v3;
	v50 =	vor.u32 v58, v57;
	v57 =	vand.u32 $0x7, v46  }
0x1a0: {  	v58 =	vshll.u32 v47, $0x1;
	v51 =	vor.u32 v55, v59;
	v55 =	vsel vm12, $0x1, v3  }
0x1a1: {  	v42 =	vor.u32 v63, v42;
	v61 =	vperm.xlane v5, v50;
	v48 =	vor.u32 v62, v58  }
0x1a2: {  	v45 =	vor.u32 v45, v57;
	v60 =	vshll.u32 v50, $0x1;
	v53 =	vadd.s32 $0xFFFFFFF0, v48  }
0x1a3: {  	v57 =	vshll.u32 v51, $0x1;
	vm11 =	vlt.f32 v61, v25;
	v53 =	vperm.xlane v7, v53  }
0x1a4: {  	v56 =	vshll.u32 v48, $0x1;
	v61 =	vadd.s32 $0xFFFFFFF0, v51;
	v52 =	vsel vm11, $0x1, v3  }
0x1a5: {  	v62 =	vperm.xlane v6, v61;
	v61 =	vand.u32 $0x7, v42;
	vm14 =	vlt.f32 v53, v22  }
0x1a6: {  	v52 =	vor.u32 v52, v60;
	v34 =	vor.u32 v34, v61;
	v53 =	vsel vm14, $0x1, v3  }
0x1a7: {  	vm15 =	vlt.f32 v62, v24;
	v59 =	vadd.s32 $0xFFFFFFF0, v52;
	v37 =	vor.u32 v53, v56  }
0x1a8: {  	v35 =	vld.idx.msk [tilespmem:v35+s21+$0x0], $0xffff;
	v58 =	vsel vm15, $0x1, v3;
	v51 =	vperm.xlane v7, v59;
	v53 =	vand.u32 $0x7, v37  }
0x1a9: {  	v36 =	vor.u32 v55, v36;
	v48 =	vor.u32 v58, v57;
	v38 =	vor.u32 v38, v53  }
0x1aa: {  	v42 =	vshll.u32 v42, $0x1;
	v63 =	vld.idx.msk [tilespmem:v45+s19+$0x0], $0xffff;
	v60 =	vand.u32 $0x7, v48;
	vm4 =	vlt.f32 v51, v25  }
0x1ab: {  	v56 =	vshll.u32 v52, $0x1;
	v43 =	vor.u32 v43, v60;
	v62 =	vsel vm4, $0x1, v3  }
0x1ac: {  	v61 =	vshll.u32 v46, $0x1;
	v57 =	vsel vm5, $0x1, v3;
	v45 =	vor.u32 v62, v56  }
0x1ad: {  	v37 =	vshll.u32 v37, $0x1;
	vm6 =	vlt.f32 v35, v20;
	v34 =	vld.idx.msk [tilespmem:v34+s19+$0x0], $0xffff;
	v59 =	vand.u32 $0x7, v45  }
0x1ae: {  	v53 =	vshll.u32 v47, $0x3;
	v60 =	vsel vm6, $0x1, v3;
	v58 =	vld.idx.msk [tilespmem:v38+s21+$0x0], $0xffff;
	v38 =	vor.u32 v39, v59  }
0x1af: {  	vm7 =	vlt.f32 v63, v17;
	v39 =	vor.u32 v57, v41;
	v41 =	vor.u32 v60, v44  }
0x1b0: {  	v54 =	vshll.u32 v48, $0x1;
	v62 =	vsel vm7, $0x1, v3;
	v43 =	vld.idx.msk [tilespmem:v43+s19+$0x0], $0xffff;
	v44 =	vand.u32 $0x7, v41  }
0x1b1: {  	v45 =	vshll.u32 v45, $0x1;
	v40 =	vor.u32 v62, v61;
	v57 =	vld.idx.msk [tilespmem:v36+s19+$0x0], $0xffff;
	v31 =	vor.u32 v31, v44  }
0x1b2: {  	v61 =	vshll.u32 v50, $0x3;
	v63 =	vand.u32 $0x7, v40;
	vm10 =	vlt.f32 v34, v19  }
0x1b3: {  	v36 =	vshll.u32 v36, $0x1;
	v55 =	vsel vm10, $0x1, v3;
	vm8 =	vlt.f32 v58, v22;
	v38 =	vld.idx.msk [tilespmem:v38+s21+$0x0], $0xffff  }
0x1b4: {  	v32 =	vor.u32 v32, v63;
	v42 =	vor.u32 v55, v42;
	v56 =	vld.idx.msk [tilespmem:v39+s21+$0x0], $0xffff;
	v51 =	vsel vm8, $0x1, v3  }
0x1b5: {  	v58 =	vshll.u32 v49, $0x3;
	vm9 =	vlt.f32 v43, v24;
	v34 =	vor.u32 v51, v37  }
0x1b6: {  	vm14 =	vlt.f32 v57, v15;
	v43 =	vsel vm9, $0x1, v3;
	v31 =	vld.idx.msk [tilespmem:v31+s21+$0x0], $0xffff;
	v52 =	vand.u32 $0x7, v34  }
0x1b7: {  	v37 =	vor.u32 v43, v54;
	v54 =	vsel vm14, $0x1, v3;
	v35 =	vor.u32 v53, v52  }
0x1b8: {  	v47 =	vld.idx.msk [tilespmem:v29+s25+$0x0], $0xffff;
	v44 =	vand.u32 $0x7, v37;
	v53 =	vshll.u32 v39, $0x1;
	vm11 =	vlt.f32 v38, v25  }
0x1b9: {  	v32 =	vld.idx.msk [tilespmem:v32+s19+$0x0], $0xffff;
	v36 =	vor.u32 v54, v36;
	vm13 =	vlt.f32 v56, v18;
	v59 =	vsel vm11, $0x1, v3  }
0x1ba: {  	v63 =	vld.idx.msk [tilespmem:v42+s19+$0x0], $0xffff;
	v44 =	vor.u32 v58, v44;
	v52 =	vsel vm13, $0x1, v3;
	v45 =	vor.u32 v59, v45  }
0x1bb: {  	v56 =	vld.idx.msk [tilespmem:v29+s24+$0x0], $0xffff;
	vm12 =	vlt.f32 v31, v20;
	v38 =	vor.u32 v52, v53;
	v60 =	vand.u32 $0x7, v45  }
0x1bc: {  	v41 =	vshll.u32 v41, $0x1;
	v62 =	vsel vm12, $0x1, v3;
	v35 =	vld.idx.msk [tilespmem:v35+s21+$0x0], $0xffff;
	v31 =	vor.u32 v61, v60  }
0x1bd: {  	v41 =	vor.u32 v62, v41;
	v62 =	vld.idx.msk [tilespmem:v33+s30+$0x0], $0xffff  }
0x1be: {  	vm15 =	vlt.f32 v32, v17;
	v53 =	vld.idx.msk [tilespmem:v36+s19+$0x0], $0xffff  }
0x1bf: {  	v57 =	vshll.u32 v40, $0x1;
	v51 =	vmul.f32 v47, v11;
	v58 =	vsel vm15, $0x1, v3;
	v55 =	vld.idx.msk [tilespmem:v44+s19+$0x0], $0xffff  }
0x1c0: {  	v34 =	vshll.u32 v34, $0x1;
	v39 =	vor.u32 v58, v57;
	vm5 =	vlt.f32 v63, v19;
	v52 =	vld.idx.msk [tilespmem:v38+s21+$0x0], $0xffff  }
0x1c1: {  	v42 =	vshll.u32 v42, $0x1;
	v37 =	vshll.u32 v37, $0x1;
	v63 =	vsel vm5, $0x1, v3;
	v59 =	vld.idx.msk [tilespmem:v31+s21+$0x0], $0xffff  }
0x1c2: {  	v36 =	vshll.u32 v36, $0x1;
	v42 =	vor.u32 v63, v42;
	vm4 =	vlt.f32 v35, v22;
	v61 =	vld.idx.msk [tilespmem:v41+s21+$0x0], $0xffff  }
0x1c3: {  	v31 =	vadd.f32 v51, v56;
	v56 =	vshll.u32 v45, $0x1;
	v60 =	vsel vm4, $0x1, v3  }
0x1c4: {  	v41 =	vshll.u32 v41, $0x1;
	vm6 =	vlt.f32 v55, v24;
	v34 =	vor.u32 v60, v34  }
0x1c5: {  	v40 =	vmul.f32 v62, v12;
	v55 =	vld.idx.msk [tilespmem:v39+s19+$0x0], $0xffff;
	v54 =	vsel vm6, $0x1, v3;
	vm9 =	vlt.f32 v52, v18  }
0x1c6: {  	vm10 =	vlt.f32 v53, v15;
	v37 =	vor.u32 v54, v37;
	v60 =	vsel vm9, $0x1, v3  }
0x1c7: {  	v46 =	vld.idx.msk [tilespmem:v28+s28+$0x0], $0xffff;
	vm7 =	vlt.f32 v59, v25;
	vm8 =	vlt.f32 v61, v20;
	v61 =	vshll.u32 v38, $0x1  }
0x1c8: {  	v62 =	vsel vm10, $0x1, v3;
	v59 =	vld.idx.msk [tilespmem:v42+s19+$0x0], $0xffff;
	v35 =	vsel vm7, $0x1, v3;
	v45 =	vor.u32 v60, v61  }
0x1c9: {  	v54 =	vand.u32 $0x7FFFFFF8, v36;
	v57 =	vsel vm8, $0x1, v3;
	v58 =	vld.idx.msk [tilespmem:v34+s21+$0x0], $0xffff;
	v35 =	vor.u32 v35, v56  }
0x1ca: {  	v32 =	vld.idx.msk [tilespmem:v29+s22+$0x0], $0xffff;
	v36 =	vand.u32 $0x6, v36;
	vm11 =	vlt.f32 v55, v17;
	v41 =	vor.u32 v57, v41  }
0x1cb: {  	v44 =	vld.idx.msk [tilespmem:v29+s23+$0x0], $0xffff;
	v52 =	vshll.u32 v39, $0x1;
	v60 =	vor.u32 v62, v36;
	v53 =	vsel vm11, $0x1, v3  }
0x1cc: {  	v38 =	vor.u32 v60, v54;
	v63 =	vld.idx.msk [tilespmem:v37+s19+$0x0], $0xffff;
	v39 =	vor.u32 v53, v52  }
0x1cd: {  	v38 =	vadd.s32 $0xFFFFFC00, v38;
	vm13 =	vlt.f32 v59, v19;
	v59 =	vld.idx.msk [tilespmem:v45+s21+$0x0], $0xffff  }
0x1ce: {  	v42 =	vshll.u32 v42, $0x1;
	vm12 =	vlt.f32 v58, v22;
	v55 =	vld.idx.msk [tilespmem:v35+s21+$0x0], $0xffff;
	v58 =	vsel vm13, $0x1, v3  }
0x1cf: {  	v34 =	vshll.u32 v34, $0x1;
	v57 =	vld.idx.msk [tilespmem:v41+s21+$0x0], $0xffff;
	v56 =	vsel vm12, $0x1, v3;
	v42 =	vor.u32 v58, v42  }
0x1d0: {  	v29 =	vld.idx.msk [tilespmem:v33+s26+$0x0], $0xffff;
	v34 =	vor.u32 v56, v34  }
0x1d1: {  	v30 =	vmul.f32 v30, v10;
	vm14 =	vlt.f32 v63, v24;
	v63 =	vld.idx.msk [tilespmem:v39+s19+$0x0], $0xffff  }
0x1d2: {  	v61 =	vshll.u32 v37, $0x1;
	v53 =	vshll.u32 v45, $0x1;
	v49 =	vld.idx.msk [tilespmem:v38+s22+$0x0], $0xffff;
	v62 =	vsel vm14, $0x1, v3  }
0x1d3: {  	v35 =	vshll.u32 v35, $0x1;
	v41 =	vshll.u32 v41, $0x1;
	v47 =	vld.idx.msk [tilespmem:v38+s24+$0x0], $0xffff;
	v36 =	vor.u32 v62, v61  }
0x1d4: {  	vm5 =	vlt.f32 v59, v18;
	vm15 =	vlt.f32 v55, v25;
	vm4 =	vlt.f32 v57, v20;
	v54 =	vld.idx.msk [tilespmem:v42+s19+$0x0], $0xffff  }
0x1d5: {  	v48 =	vsel vm5, $0x1, v3;
	v51 =	vsel vm15, $0x1, v3;
	v43 =	vsel vm4, $0x1, v3;
	v52 =	vld.idx.msk [tilespmem:v34+s21+$0x0], $0xffff  }
0x1d6: {  	v55 =	vand.u32 $0x6, v53;
	v35 =	vor.u32 v51, v35;
	v41 =	vor.u32 v43, v41;
	v43 =	vld.idx.msk [tilespmem:v33+s28+$0x0], $0xffff  }
0x1d7: {  	v37 =	vand.u32 $0x7FFFFFF8, v53;
	v48 =	vor.u32 v48, v55;
	v33 =	vld.idx.msk [tilespmem:v33+s29+$0x0], $0xffff  }
0x1d8: {  	v30 =	vadd.f32 v30, v46;
	vm6 =	vlt.f32 v63, v17;
	v37 =	vor.u32 v48, v37;
	v48 =	vld.idx.msk [tilespmem:v38+s23+$0x0], $0xffff  }
0x1d9: {  	v39 =	vshll.u32 v39, $0x1;
	v42 =	vshll.u32 v42, $0x1;
	v57 =	vsel vm6, $0x1, v3;
	v56 =	vld.idx.msk [tilespmem:v36+s19+$0x0], $0xffff  }
0x1da: {  	v34 =	vshll.u32 v34, $0x1;
	v62 =	vand.u32 $0x7FFFFFF8, v42;
	v38 =	vld.idx.msk [tilespmem:v38+s25+$0x0], $0xffff;
	v39 =	vor.u32 v57, v39  }
0x1db: {  	v42 =	vand.u32 $0x6, v42;
	v37 =	vadd.s32 $0xFFFFFC00, v37;
	vm7 =	vlt.f32 v52, v22;
	v58 =	vld.idx.msk [tilespmem:v35+s21+$0x0], $0xffff  }
0x1dc: {  	v36 =	vshll.u32 v36, $0x1;
	vm8 =	vlt.f32 v54, v19;
	v59 =	vsel vm7, $0x1, v3  }
0x1dd: {  	v60 =	vld.idx.msk [tilespmem:v41+s21+$0x0], $0xffff;
	v61 =	vsel vm8, $0x1, v3;
	v41 =	vshll.u32 v41, $0x1;
	v34 =	vor.u32 v59, v34  }
0x1de: {  	v27 =	vld.idx.msk [tilespmem:v27+s22+$0x0], $0xffff;
	v35 =	vshll.u32 v35, $0x1;
	v33 =	vadd.f32 v40, v33;
	vm9 =	vlt.f32 v56, v24  }
0x1df: {  	v38 =	vmul.f32 v38, v15;
	v42 =	vor.u32 v61, v42;
	v56 =	vld.idx.msk [tilespmem:v39+s19+$0x0], $0xffff;
	v63 =	vsel vm9, $0x1, v3  }
0x1e0: {  	v57 =	vand.u32 $0x6, v41;
	v40 =	vld.idx.msk [tilespmem:v37+s28+$0x0], $0xffff;
	v36 =	vor.u32 v63, v36;
	vm10 =	vlt.f32 v58, v25  }
0x1e1: {  	v41 =	vand.u32 $0x7FFFFFF8, v41;
	v39 =	vshll.u32 v39, $0x1;
	v50 =	vld.idx.msk [tilespmem:v37+s29+$0x0], $0xffff;
	v46 =	vsel vm10, $0x1, v3  }
0x1e2: {  	v42 =	vor.u32 v42, v62;
	v61 =	vand.u32 $0x7FFFFFF8, v39;
	v58 =	vld.idx.msk [tilespmem:v34+s21+$0x0], $0xffff;
	v35 =	vor.u32 v46, v35  }
0x1e3: {  	v39 =	vand.u32 $0x6, v39;
	v42 =	vadd.s32 $0xFFFFFC00, v42;
	vm11 =	vlt.f32 v60, v20;
	v46 =	vld.idx.msk [tilespmem:v37+s26+$0x0], $0xffff  }
0x1e4: {  	v33 =	vmul.f32 v33, v12;
	v45 =	vsel vm11, $0x1, v3;
	vm12 =	vlt.f32 v56, v17;
	v37 =	vld.idx.msk [tilespmem:v37+s30+$0x0], $0xffff  }
0x1e5: {  	v38 =	vadd.f32 v38, v47;
	v45 =	vor.u32 v45, v57;
	v60 =	vsel vm12, $0x1, v3;
	v59 =	vld.idx.msk [tilespmem:v36+s19+$0x0], $0xffff  }
0x1e6: {  	v28 =	vld.idx.msk [tilespmem:v28+s26+$0x0], $0xffff;
	v34 =	vshll.u32 v34, $0x1;
	v41 =	vor.u32 v45, v41;
	v39 =	vor.u32 v60, v39  }
0x1e7: {  	v57 =	vand.u32 $0x6, v34;
	v41 =	vadd.s32 $0xFFFFFC00, v41;
	v39 =	vor.u32 v39, v61;
	v62 =	vld.idx.msk [tilespmem:v35+s21+$0x0], $0xffff  }
0x1e8: {  	v54 =	vld.idx.msk [tilespmem:v42+s22+$0x0], $0xffff;
	v34 =	vand.u32 $0x7FFFFFF8, v34;
	v36 =	vshll.u32 v36, $0x1;
	v39 =	vadd.s32 $0xFFFFFC00, v39  }
0x1e9: {  	v53 =	vld.idx.msk [tilespmem:v42+s23+$0x0], $0xffff;
	vm13 =	vlt.f32 v58, v22;
	v35 =	vshll.u32 v35, $0x1;
	v37 =	vmul.f32 v37, v18  }
0x1ea: {  	v45 =	vld.idx.msk [tilespmem:v42+s24+$0x0], $0xffff;
	v63 =	vsel vm13, $0x1, v3;
	vm14 =	vlt.f32 v59, v24;
	v59 =	vand.u32 $0x7FFFFFF8, v36  }
0x1eb: {  	v42 =	vld.idx.msk [tilespmem:v42+s25+$0x0], $0xffff;
	v36 =	vand.u32 $0x6, v36;
	v61 =	vand.u32 $0x6, v35;
	v52 =	vor.u32 v63, v57  }
0x1ec: {  	v58 =	vsel vm14, $0x1, v3;
	v51 =	vld.idx.msk [tilespmem:v41+s26+$0x0], $0xffff;
	v34 =	vor.u32 v52, v34;
	vm15 =	vlt.f32 v62, v25  }
0x1ed: {  	v55 =	vld.idx.msk [tilespmem:v41+s28+$0x0], $0xffff;
	v36 =	vor.u32 v58, v36;
	v34 =	vadd.s32 $0xFFFFFC00, v34;
	v60 =	vsel vm15, $0x1, v3  }
0x1ee: {  	v35 =	vand.u32 $0x7FFFFFF8, v35;
	v47 =	vld.idx.msk [tilespmem:v39+s24+$0x0], $0xffff;
	v36 =	vor.u32 v36, v59;
	v52 =	vor.u32 v60, v61  }
0x1ef: {  	v63 =	vadd.f32 v33, v43;
	v43 =	vld.idx.msk [tilespmem:v39+s25+$0x0], $0xffff;
	v36 =	vadd.s32 $0xFFFFFC00, v36;
	v35 =	vor.u32 v52, v35  }
0x1f0: {  	v10 =	vmul.f32 v30, v10;
	v37 =	vadd.f32 v37, v50;
	v52 =	vld.idx.msk [tilespmem:v41+s29+$0x0], $0xffff;
	v35 =	vadd.s32 $0xFFFFFC00, v35  }
0x1f1: {  	v31 =	vmul.f32 v31, v11;
	v41 =	vld.idx.msk [tilespmem:v41+s30+$0x0], $0xffff  }
0x1f2: {  	v26 =	vadd.f32 v26, v27;
	v10 =	vadd.f32 v10, v28;
	v37 =	vmul.f32 v37, v18;
	v50 =	vld.idx.msk [tilespmem:v34+s29+$0x0], $0xffff  }
0x1f3: {  	v21 =	vmul.f32 v23, v21;
	v62 =	vadd.f32 v31, v44;
	v44 =	vmul.f32 v38, v15;
	v56 =	vld.idx.msk [tilespmem:v34+s30+$0x0], $0xffff  }
0x1f4: {  	v10 =	vmul.f32 v10, v26;
	v12 =	vmul.f32 v63, v12;
	v58 =	vadd.f32 v37, v40;
	v59 =	vld.idx.msk [tilespmem:v36+s25+$0x0], $0xffff  }
0x1f5: {  	v11 =	vmul.f32 v62, v11;
	v57 =	vadd.f32 v44, v48;
	v62 =	vmul.f32 v42, v19;
	v60 =	vld.idx.msk [tilespmem:v35+s30+$0x0], $0xffff  }
0x1f6: {  	[tilespmem:s13+$0xFFFFFFB0] =	vst v14;
	v18 =	vmul.f32 v58, v18;
	v42 =	vmul.f32 v43, v17;
	v61 =	vld.idx.msk [tilespmem:v36+s24+$0x0], $0xffff  }
0x1f7: {  	v12 =	vadd.f32 v12, v29;
	v11 =	vadd.f32 v11, v32;
	v15 =	vmul.f32 v57, v15;
	v63 =	vld.idx.msk [tilespmem:v35+s29+$0x0], $0xffff  }
0x1f8: {  	v43 =	vld.idx.msk [tilespmem:v34+s28+$0x0], $0xffff;
	v18 =	vadd.f32 v18, v46;
	v31 =	vadd.f32 v42, v47;
	v40 =	vmul.f32 v41, v20  }
0x1f9: {  	v44 =	vld.idx.msk [tilespmem:v36+s23+$0x0], $0xffff;
	v11 =	vmul.f32 v12, v11;
	v12 =	vadd.f32 v62, v45;
	v28 =	vmul.f32 v56, v22  }
0x1fa: {  	v41 =	vld.idx.msk [tilespmem:v39+s23+$0x0], $0xffff;
	v27 =	vadd.f32 v40, v52;
	v30 =	vmul.f32 v59, v24;
	v26 =	vmul.f32 v60, v25  }
0x1fb: {  	v15 =	vadd.f32 v15, v49;
	v12 =	vmul.f32 v12, v19;
	v45 =	vld.idx.msk [tilespmem:v35+s28+$0x0], $0xffff;
	v28 =	vadd.f32 v28, v50  }
0x1fc: {  	v47 =	vld.idx.msk [tilespmem:v39+s22+$0x0], $0xffff;
	v23 =	vadd.f32 v30, v61;
	v46 =	vmul.f32 v27, v20;
	v14 =	vadd.f32 v26, v63  }
0x1fd: {  	v49 =	vld.idx.msk [tilespmem:v34+s26+$0x0], $0xffff;
	v48 =	vmul.f32 v31, v17;
	v12 =	vadd.f32 v12, v53;
	v28 =	vmul.f32 v28, v22  }
0x1fe: {  	v53 =	vld.idx.msk [tilespmem:v35+s26+$0x0], $0xffff;
	v23 =	vmul.f32 v23, v24;
	v26 =	vadd.f32 v46, v55;
	v14 =	vmul.f32 v14, v25  }
0x1ff: {  	v50 =	vld.idx.msk [tilespmem:v36+s22+$0x0], $0xffff;
	v12 =	vmul.f32 v12, v19;
	v52 =	vadd.f32 v48, v41;
	v28 =	vadd.f32 v28, v43  }
0x200: {  	[tilespmem:s13+$0xFFFFFFC0] =	vst v13;
	v56 =	vadd.f32 v23, v44;
	v55 =	vmul.f32 v26, v20;
	v14 =	vadd.f32 v14, v45  }
0x201: {  	[tilespmem:s13+$0xFFFFFFD0] =	vst v16;
	v12 =	vadd.f32 v12, v54;
	v57 =	vmul.f32 v52, v17;
	v58 =	vmul.f32 v28, v22  }
0x202: {  	s8 =	sadd.s32 $0xA, s8;
	[tilespmem:s13+$0xFFFFFFE0] =	vst v21;
	v59 =	vmul.f32 v56, v24;
	v13 =	vadd.f32 v55, v51;
	v14 =	vmul.f32 v14, v25  }
0x203: {  	p0 =	slt.u32 s8, $0x7C6;
	[tilespmem:s13+$0xFFFFFFF0] =	vst v10;
	v10 =	vmul.f32 v18, v15;
	v60 =	vadd.f32 v57, v47;
	v61 =	vadd.f32 v58, v49  }
.Ltmp5:
0x204: {  	[tilespmem:s13+$0x0] =	vst v11;
	v62 =	vadd.f32 v59, v50;
	v11 =	vmul.f32 v13, v12;
	v63 =	vadd.f32 v14, v53;
	(pc) =	sbr.rel @p0 .LBB2_4-.Ltmp5, $4  }
0x205: {  	[tilespmem:s13+$0x10] =	vst v10;
	v10 =	vmul.f32 v61, v60  }
0x206: {  	[tilespmem:s13+$0x20] =	vst v11;
	v11 =	vmul.f32 v63, v62  }
0x207: {  	[tilespmem:s13+$0x30] =	vst v10  }
0x208: {  	s10 =	sadd.s32 $0xA0, s10;
	s11 =	sadd.s32 $0xA0, s11;
	[tilespmem:s13+$0x40] =	vst v11;
	s13 =	sadd.s32 $0xA0, s13  }
.Ltmp6:
0x209: {  	s7 =	sadd.s32 s1, s7;
	(pc) =	sbr.rel .LBB2_6-.Ltmp6, $4  }
0x20a: {  	[hbm4b:s7+s2] =	stream.linear.scatter [tilespmem:s12], [sflag:$0x1], $0x7D00, $0x38;
	[tilespmem:$0x19F00] =	vst v63  }
0x20b: {  	_ =	swait.ge [sflag:s20], $0x7D00  }
0x20c: {  	[sflag:s20] =	ssyncset.done $0x0  }
0x20d: {  	[sflag:s20] =	ssyncadd.s32 $0xFFFF8300  }
.LBB2_8:
0x20e: {  	_ =	sfence.sel $0x180000  }
0x20f: {  	[bflag:$0x0] =	sbarrier.arrive $0xFFFF  }
0x210: {  	_ =	strace $0x90000047  }
0x211: {  	s0 =	stileid.u32;
	[bflag:$0x2] =	sbarrier.arrive $0xFFFF  }
0x212: {  	p0 =	sne.s32 s0, $0x0;
	s0 =	rddreg [dreg:$0x2]  }
0x213: {  	s0 =	sadd.s32 @!p0 $0x100000, s0  }
0x214: {  	[sflag:s0] =	ssyncadd.tile.s32 @!p0 $0x1;
	_ =	shalt  }
.Lfunc_end2:
_tile_overlayer_lowered:
.L_overlay_start_2:
0x215: {  	(tag) =	ssettag $0x2  }
0x216: {  	s0 =	rddreg [dreg:$0x0];
	s2 =	stileid.u32  }
0x217: {  	s1 =	rddreg [dreg:$0x1];
	p0 =	sne.s32 s2, $0x0  }
0x218: {  	s3 =	rddreg [dreg:$0x2];
	[bflag:$0x3] =	sbarrier.arrive $0xFFFF;
	s2 =	simm.s32 @!p0 $0x1C01  }
0x219: {  	[timem:s3], [sflag:s2] =	dma.local @!p0 [hbm:s0], s1  }
0x21a: {  	s0 =	simm.s32 @!p0 $0x1  }
0x21b: {  	_ =	swait.ge @!p0 [sflag:s0], s1  }
0x21c: {  	s1 =	ssub.s32 @!p0 $0x0, s1;
	[sflag:s0] =	ssyncset.done @!p0 $0x0  }
0x21d: {  	[sflag:s0] =	ssyncadd.s32 @!p0 s1  }
0x21e: {  	[bflag:$0x3] =	sbarrier.arrive $0xFFFF  }
0x21f: {  	_ =	shalt  }

</sc_bundles>
